<compile_context>
chip_gen: v7x
topology: tpu7x:2x2x1
jax: 0.10.2.dev20260603
libtpu: 0.0.44.dev20260713+nightly
codegen_flags: <defaults>
</compile_context>

<pallas_src>
import functools

import jax
import jax.numpy as jnp
from jax import lax
from jax.experimental import pallas as pl
from jax.experimental.pallas import tpu as pltpu
from jax.experimental.pallas import tpu_sc as plsc

_L = 16
_TILE = 128
_CHT = 8
_RING = 256
_WIN = 2048
_WL = 176


@jax.jit
def kernel(node, time, embedding):
    B = node.shape[0]
    N, D = embedding.shape
    embT = embedding.T
    n_tiles = N // _TILE + 1
    tail_n = N - (n_tiles - 1) * _TILE
    tail = jnp.pad(embT[:, N - tail_n:], ((0, 0), (0, _TILE - tail_n)))

    info = plsc.get_sparse_core_info()
    nsub = info.num_subcores
    nw = info.num_cores * nsub
    base_t, extra = divmod(n_tiles, nw)
    n_chunks = -(-(base_t + 1) // _CHT)
    stage_words = 2 * B * D

    mesh = plsc.VectorSubcoreMesh(core_axis_name="c", subcore_axis_name="s")

    @functools.partial(
        pl.kernel,
        mesh=mesh,
        compiler_params=pltpu.CompilerParams(needs_layout_passes=False),
        out_type=jax.ShapeDtypeStruct((stage_words,), jnp.float32),
        scratch_types=[
            pltpu.VMEM((2, _WIN), jnp.int32),
            pltpu.VMEM((2080,), jnp.int32),
            pltpu.VMEM((_WL,), jnp.int32),
            pltpu.VMEM((2, D, _CHT * _TILE), jnp.float32),
            pltpu.VMEM((_RING, D), jnp.float32),
            pltpu.SemaphoreType.DMA,
            pltpu.SemaphoreType.DMA,
            pltpu.SemaphoreType.DMA,
        ],
    )
    def sc_gather(node_hbm, time_hbm, embT_hbm, tail_hbm, s_hbm,
                  idxwin, hits, wl, slab, ring,
                  sem_sw, sem_st, sem_ix):
        c = lax.axis_index("c")
        s = lax.axis_index("s")
        w = c * nsub + s
        lo_t = w * base_t + jnp.minimum(w, extra)
        my_t = base_t + jnp.where(w < extra, 1, 0)
        hi_t = lo_t + my_t
        lo_n = lo_t * _TILE
        hi_n = hi_t * _TILE

        lanes = lax.iota(jnp.int32, _L)
        srcs = (node_hbm, time_hbm)
        n_pieces = B // _WIN

        last_full = n_tiles - 1

        def fire(ch):
            buf = ch & 1
            t0 = lo_t + ch * _CHT
            full_w = _CHT * _TILE

            @pl.when(t0 + _CHT <= jnp.minimum(hi_t, last_full))
            def _():
                pltpu.async_copy(
                    embT_hbm.at[:, pl.ds(
                        pl.multiple_of(t0 * _TILE, _TILE), full_w)],
                    slab.at[buf], sem_sw)

            @pl.when(t0 + _CHT > jnp.minimum(hi_t, last_full))
            def _():
                nt = jnp.clip(jnp.minimum(hi_t, last_full) - t0, 0, _CHT)

                def body(ti, carry):
                    pltpu.async_copy(
                        embT_hbm.at[:, pl.ds(
                            pl.multiple_of((t0 + ti) * _TILE, _TILE), _TILE)],
                        slab.at[buf, :, pl.ds(ti * _TILE, _TILE)], sem_sw)
                    return carry
                lax.fori_loop(0, nt, body, 0)
                @pl.when((t0 <= last_full) & (last_full < t0 + _CHT)
                         & (hi_t > last_full))
                def _():
                    pltpu.async_copy(
                        tail_hbm,
                        slab.at[buf, :, pl.ds((last_full - t0) * _TILE,
                                              _TILE)], sem_sw)

        def drain(ch):
            buf = ch & 1
            t0 = lo_t + ch * _CHT

            @pl.when(t0 + _CHT <= jnp.minimum(hi_t, last_full))
            def _():
                pltpu.make_async_copy(
                    embT_hbm.at[:, pl.ds(0, _CHT * _TILE)], slab.at[buf],
                    sem_sw).wait()

            @pl.when(t0 + _CHT > jnp.minimum(hi_t, last_full))
            def _():
                nt = jnp.clip(jnp.minimum(hi_t, last_full) - t0, 0, _CHT)
                nt = nt + jnp.where(
                    (t0 <= last_full) & (last_full < t0 + _CHT)
                    & (hi_t > last_full), 1, 0)

                def body(ti, carry):
                    pltpu.make_async_copy(
                        embT_hbm.at[:, pl.ds(0, _TILE)],
                        slab.at[buf, :, pl.ds(0, _TILE)], sem_sw).wait()
                    return carry
                lax.fori_loop(0, nt, body, 0)


        def chunk_loop(ch, m_c):
            buf = ch & 1
            t0 = lo_t + ch * _CHT

            drain(ch)

            clo = (t0 - lo_t) * _TILE << 16
            chi = (jnp.minimum(t0 + _CHT, hi_t) - lo_t) * _TILE << 16
            nv = (nh + _L - 1) >> 4

            def rescan(k, nc):
                hv = hits[pl.ds(k * _L, _L)]
                m2 = (hv >= clo) & (hv < chi)
                cnt = plsc.all_reduce_population_count(m2)[0]
                plsc.store_compressed(wl.at[pl.ds(nc, _L)], hv, mask=m2)
                return nc + cnt
            nc = lax.fori_loop(0, nv, rescan, 0)

            bufv = jnp.full((_L,), buf, jnp.int32)
            f0 = lanes
            f1 = lanes + _L
            base_n = t0 * _TILE

            def extract(e, m_e):
                pk = wl[pl.ds(e, _L)][0]
                rel = pk >> 16
                pos = pk & 0xFFFF
                lv = jnp.full((_L,), rel + lo_n - base_n, jnp.int32)
                v0 = plsc.load_gather(slab, [bufv, f0, lv])
                v1 = plsc.load_gather(slab, [bufv, f1, lv])
                slot = m_e & (_RING - 1)

                @pl.when(m_e >= _RING)
                def _():
                    pltpu.make_async_copy(
                        tail_hbm.at[0, pl.ds(0, D)], ring.at[slot],
                        sem_st).wait()
                ring[slot, pl.ds(0, _L)] = v0
                ring[slot, pl.ds(_L, _L)] = v1
                pltpu.async_copy(ring.at[slot],
                                 s_hbm.at[pl.ds(pos * D, D)], sem_st)
                return m_e + 1
            m_new = lax.fori_loop(0, nc, extract, m_c)

            @pl.when(ch + 2 < n_chunks)
            def _():
                fire(ch + 2)
            return m_new

        nh = 0
        for a in range(2):
            def piece(p, nh_c, a=a):
                buf = p & 1
                pltpu.sync_copy(srcs[a].at[pl.ds(p * _WIN, _WIN)],
                                idxwin.at[buf])

                def scan(i, nh_i, a=a):
                    for u in range(4):
                        iv = idxwin[buf, pl.ds((i * 4 + u) * _L, _L)]
                        m = (iv >= lo_n) & (iv < hi_n)
                        cnt = plsc.all_reduce_population_count(m)[0]
                        pv = (a * B + p * _WIN + (i * 4 + u) * _L) + lanes
                        packed = ((iv - lo_n) << 16) | pv
                        plsc.store_compressed(
                            hits.at[pl.ds(nh_i, _L)], packed, mask=m)
                        nh_i = nh_i + cnt
                    return nh_i
                return lax.fori_loop(0, _WIN // (_L * 4), scan, nh_c)
            nh = lax.fori_loop(0, n_pieces, piece, nh)
        hits[pl.ds(nh, _L)] = jnp.full((_L,), -1, jnp.int32)

        fire(0)
        fire(1)
        m_fin = lax.fori_loop(0, n_chunks, chunk_loop, 0)

        def fdrain(i, carry):
            pltpu.make_async_copy(
                tail_hbm.at[0, pl.ds(0, D)], ring.at[0], sem_st).wait()
            return carry
        lax.fori_loop(0, jnp.minimum(m_fin, _RING), fdrain, 0)

    node_i = node.astype(jnp.int32)
    time_i = time.astype(jnp.int32)
    sarr = sc_gather(node_i, time_i, embT, tail)

    rows = stage_words // _TILE
    half = rows // 2
    sr = sarr.reshape(rows, _TILE)
    blk = 1024
    grid = half // blk

    def dot_kernel(sn, st, o):
        p = sn[...] * st[...]
        seg = jax.lax.broadcasted_iota(jnp.int32, (_TILE, _TILE // D), 0) // D
        col = jax.lax.broadcasted_iota(jnp.int32, (_TILE, _TILE // D), 1)
        m = jnp.where(seg == col, 1.0, 0.0).astype(jnp.float32)
        o[...] = jax.lax.dot_general(
            p, m, (((1,), (0,)), ((), ())),
            preferred_element_type=jnp.float32)

    out4 = pl.pallas_call(
        dot_kernel,
        grid=(grid,),
        in_specs=[
            pl.BlockSpec((blk, _TILE), lambda i: (i, 0)),
            pl.BlockSpec((blk, _TILE), lambda i: (i + grid, 0)),
        ],
        out_specs=pl.BlockSpec((blk, _TILE // D), lambda i: (i, 0)),
        out_shape=jax.ShapeDtypeStruct((half, _TILE // D), jnp.float32),
    )(sr, sr)

    return out4.reshape(B)

# --- scband reference (transcript-rebuilt; emitter-appended) ---
"""Pipeline reference for scband-stage-30485677867450 (READ-ONLY COPY).

The authoritative reference and input builder live on the scoring server;
editing this copy changes nothing except your own understanding.
"""

import jax, jax.numpy as jnp
import numpy as np

NUM_NODES = 1000000
EMBED_DIM = 32
BATCH = 16384

def setup_inputs(seed: int = 0) -> dict:
    key = jax.random.key(seed)
    k1, k2, k3 = jax.random.split(key, 3)
    node = jax.random.randint(k1, (BATCH,), 0, NUM_NODES, dtype=jnp.int64 if jax.config.jax_enable_x64 else jnp.int32)
    time = jax.random.randint(k2, (BATCH,), 0, NUM_NODES, dtype=jnp.int64 if jax.config.jax_enable_x64 else jnp.int32)
    # xavier_uniform on [num_nodes, embed_dim]: fan_in=embed_dim, fan_out=num_nodes
    bound = float(np.sqrt(6.0 / (NUM_NODES + EMBED_DIM)))
    embedding = jax.random.uniform(k3, (NUM_NODES, EMBED_DIM), minval=-bound, maxval=bound, dtype=jnp.float32)
    return {"node": node, "time": time, "embedding": embedding}

def reference(node, time, embedding):
    node_emb = jnp.take(embedding, node, axis=0)
    time_emb = jnp.take(embedding, time, axis=0)
    score = jnp.sum(node_emb * time_emb, axis=1)
    return score

if __name__ == "__main__":
    import jax
    _d = setup_inputs()
    print(jax.jit(kernel)(*tuple(_d.values())))

</pallas_src>

<mosaic_0001>
#map = affine_map<(d0, d1) -> (0)>
#map1 = affine_map<(d0, d1) -> (0, 0)>
module attributes {stable_mosaic.version = 14 : i64} {
  func.func @sc_gather(%arg0: i32, %arg1: i32, %arg2: memref<16384xi32, #tpu.memory_space<hbm>>, %arg3: memref<16384xi32, #tpu.memory_space<hbm>>, %arg4: memref<32x1000000xf32, #tpu.memory_space<hbm>>, %arg5: memref<32x128xf32, #tpu.memory_space<hbm>>, %arg6: memref<1048576xf32, #tpu.memory_space<hbm>>, %arg7: memref<2x2048xi32, #tpu.memory_space<vmem>>, %arg8: memref<2080xi32, #tpu.memory_space<vmem>>, %arg9: memref<176xi32, #tpu.memory_space<vmem>>, %arg10: memref<2x32x1024xf32, #tpu.memory_space<vmem>>, %arg11: memref<256x32xf32, #tpu.memory_space<vmem>>, %arg12: memref<!tpu.dma_semaphore, #tpu.memory_space<semaphore_mem>>, %arg13: memref<!tpu.dma_semaphore, #tpu.memory_space<semaphore_mem>>, %arg14: memref<!tpu.dma_semaphore, #tpu.memory_space<semaphore_mem>>) attributes {dimension_semantics = [#tpu.dimension_semantics<core_parallel>, #tpu.dimension_semantics<subcore_parallel>], iteration_bounds = array<i64: 2, 16>, scalar_prefetch = 0 : i64, scratch_operands = 8 : i64, tpu.core_type = #tpu.core_type<sc_vector_subcore>, window_params = [{transform_indices = #map}, {transform_indices = #map}, {transform_indices = #map1}, {transform_indices = #map1}, {transform_indices = #map}]} {
    %mul3A = arith.constant 16 : i32
    %mul3A_0 = arith.muli %arg0, %mul3A : i32
    %add3A = arith.addi %mul3A_0, %arg1 : i32
    %mul3A_1 = arith.constant 244 : i32
    %mul3A_2 = arith.muli %add3A, %mul3A_1 : i32
    %min3A = arith.constant 5 : i32
    %min3A_3 = arith.minsi %add3A, %min3A : i32
    %add3A_4 = arith.addi %mul3A_2, %min3A_3 : i32
    %lt3A = arith.constant 5 : i32
    %lt3A_5 = arith.cmpi slt, %add3A, %lt3A : i32
    %jit3A = arith.constant 1 : i32
    %jit3A_6 = arith.constant 0 : i32
    %select_n3A = arith.select %lt3A_5, %jit3A, %jit3A_6 : i32
    %add3A_7 = arith.constant 244 : i32
    %add3A_8 = arith.addi %add3A_7, %select_n3A : i32
    %add3A_9 = arith.addi %add3A_4, %add3A_8 : i32
    %mul3A_10 = arith.constant 128 : i32
    %mul3A_11 = arith.muli %add3A_4, %mul3A_10 : i32
    %mul3A_12 = arith.constant 128 : i32
    %mul3A_13 = arith.muli %add3A_9, %mul3A_12 : i32
    %iota3A = tpu.iota {dimensions = array<i32: 0>} : vector<16xi32>
    %scan3A = arith.constant 0 : i32
    %scan3A_14 = arith.constant 0 : i32
    %scan3A_15 = arith.constant 8 : i32
    %scan3A_16 = arith.addi %scan3A_14, %scan3A_15 : i32
    %scan3A_17 = arith.constant 1 : i32
    %scan3A_18 = scf.for %scan3A_78 = %scan3A_14 to %scan3A_16 step %scan3A_17 iter_args(%scan3A_79 = %scan3A) -> (i32)  : i32 {
      %and3A = arith.constant 1 : i32
      %and3A_80 = arith.andi %scan3A_78, %and3A : i32
      %mul3A_81 = arith.constant 2048 : i32
      %mul3A_82 = arith.muli %scan3A_78, %mul3A_81 : i32
      "tpu.region"() ({
        %run_scoped3A = tpu.sem_alloc : memref<!tpu.dma_semaphore, #tpu.memory_space<semaphore_mem>>
        %dma_start3A = arith.constant 0 : i32
        %dma_start3A_89 = tpu.memref_slice %arg7[%and3A_80, %dma_start3A] : memref<2x2048xi32, #tpu.memory_space<vmem>> -> memref<1x2048xi32, #tpu.memory_space<vmem>>
        %dma_start3A_90 = tpu.memref_squeeze %dma_start3A_89 : memref<1x2048xi32, #tpu.memory_space<vmem>> -> memref<2048xi32, #tpu.memory_space<vmem>>
        %dma_start3A_91 = tpu.memref_slice %arg2[%mul3A_82] : memref<16384xi32, #tpu.memory_space<hbm>> -> memref<2048xi32, #tpu.memory_space<hbm>>
        %dma_start3A_92 = arith.constant 0 : i32
        %dma_start3A_93 = tpu.memref_slice %arg7[%and3A_80, %dma_start3A_92] : memref<2x2048xi32, #tpu.memory_space<vmem>> -> memref<1x2048xi32, #tpu.memory_space<vmem>>
        %dma_start3A_94 = tpu.memref_squeeze %dma_start3A_93 : memref<1x2048xi32, #tpu.memory_space<vmem>> -> memref<2048xi32, #tpu.memory_space<vmem>>
        %dma_start3A_95 = tpu.memref_slice %arg2[%mul3A_82] : memref<16384xi32, #tpu.memory_space<hbm>> -> memref<2048xi32, #tpu.memory_space<hbm>>
        tpu.enqueue_dma source(%dma_start3A_95 : memref<2048xi32, #tpu.memory_space<hbm>>) target(%dma_start3A_94 : memref<2048xi32, #tpu.memory_space<vmem>>) target_semaphore(%run_scoped3A : memref<!tpu.dma_semaphore, #tpu.memory_space<semaphore_mem>>)
        %dma_wait3A = arith.constant 0 : i32
        %dma_wait3A_96 = tpu.memref_slice %arg7[%and3A_80, %dma_wait3A] : memref<2x2048xi32, #tpu.memory_space<vmem>> -> memref<1x2048xi32, #tpu.memory_space<vmem>>
        %dma_wait3A_97 = tpu.memref_squeeze %dma_wait3A_96 : memref<1x2048xi32, #tpu.memory_space<vmem>> -> memref<2048xi32, #tpu.memory_space<vmem>>
        %dma_wait3A_98 = tpu.memref_slice %arg2[%mul3A_82] : memref<16384xi32, #tpu.memory_space<hbm>> -> memref<2048xi32, #tpu.memory_space<hbm>>
        %dma_wait3A_99 = arith.constant 0 : i32
        %dma_wait3A_100 = tpu.memref_slice %arg7[%and3A_80, %dma_wait3A_99] : memref<2x2048xi32, #tpu.memory_space<vmem>> -> memref<1x2048xi32, #tpu.memory_space<vmem>>
        %dma_wait3A_101 = tpu.memref_squeeze %dma_wait3A_100 : memref<1x2048xi32, #tpu.memory_space<vmem>> -> memref<2048xi32, #tpu.memory_space<vmem>>
        %dma_wait3A_102 = tpu.memref_slice %arg2[%mul3A_82] : memref<16384xi32, #tpu.memory_space<hbm>> -> memref<2048xi32, #tpu.memory_space<hbm>>
        tpu.wait_dma2 semaphore(%run_scoped3A : memref<!tpu.dma_semaphore, #tpu.memory_space<semaphore_mem>>) src(%dma_wait3A_102 : memref<2048xi32, #tpu.memory_space<hbm>>) dst(%dma_wait3A_101 : memref<2048xi32, #tpu.memory_space<vmem>>)
        tpu.yield
      }) : () -> ()
      %scan3A_83 = arith.constant 0 : i32
      %scan3A_84 = arith.constant 32 : i32
      %scan3A_85 = arith.addi %scan3A_83, %scan3A_84 : i32
      %scan3A_86 = arith.constant 1 : i32
      %scan3A_87 = scf.for %scan3A_89 = %scan3A_83 to %scan3A_85 step %scan3A_86 iter_args(%scan3A_90 = %scan3A_79) -> (i32)  : i32 {
        %mul3A_91 = arith.constant 4 : i32
        %mul3A_92 = arith.muli %scan3A_89, %mul3A_91 : i32
        %add3A_93 = arith.constant 0 : i32
        %add3A_94 = arith.addi %mul3A_92, %add3A_93 : i32
        %mul3A_95 = arith.constant 16 : i32
        %mul3A_96 = arith.muli %add3A_94, %mul3A_95 : i32
        %get3A = arith.index_cast %and3A_80 : i32 to index
        %get3A_97 = arith.index_cast %mul3A_96 : i32 to index
        %get3A_98 = tpu.vector_load %arg7[%get3A, %get3A_97] {strides = array<i32>} : memref<2x2048xi32, #tpu.memory_space<vmem>>, vector<16xi32>,
        %ge3A = vector.broadcast %mul3A_11 : i32 to vector<16xi32>
        %ge3A_99 = arith.cmpi sge, %get3A_98, %ge3A : vector<16xi32>
        %lt3A_100 = vector.broadcast %mul3A_13 : i32 to vector<16xi32>
        %lt3A_101 = arith.cmpi slt, %get3A_98, %lt3A_100 : vector<16xi32>
        %and3A_102 = arith.andi %ge3A_99, %lt3A_101 : vector<16xi1>
        %all_reduce_population_count3A = tpu.all_reduce %and3A_102 {dim = 0 : i64, kind = #tpu.reduction_kind<sum>} : vector<16xi1> -> vector<16xi32>
        %slice3A = vector.extract_strided_slice %all_reduce_population_count3A {offsets = [0], sizes = [1], strides = [1]} : vector<16xi32> to vector<1xi32>
        %squeeze3A = vector.extract %slice3A[0] : i32 from vector<1xi32>
        %mul3A_103 = arith.constant 2048 : i32
        %mul3A_104 = arith.muli %scan3A_78, %mul3A_103 : i32
        %add3A_105 = arith.constant 0 : i32
        %add3A_106 = arith.addi %add3A_105, %mul3A_104 : i32
        %mul3A_107 = arith.constant 4 : i32
        %mul3A_108 = arith.muli %scan3A_89, %mul3A_107 : i32
        %add3A_109 = arith.constant 0 : i32
        %add3A_110 = arith.addi %mul3A_108, %add3A_109 : i32
        %mul3A_111 = arith.constant 16 : i32
        %mul3A_112 = arith.muli %add3A_110, %mul3A_111 : i32
        %add3A_113 = arith.addi %add3A_106, %mul3A_112 : i32
        %add3A_114 = vector.broadcast %add3A_113 : i32 to vector<16xi32>
        %add3A_115 = arith.addi %add3A_114, %iota3A : vector<16xi32>
        %sub3A = vector.broadcast %mul3A_11 : i32 to vector<16xi32>
        %sub3A_116 = arith.subi %get3A_98, %sub3A : vector<16xi32>
        %shift_left3A = arith.constant 16 : i32
        %shift_left3A_117 = vector.broadcast %shift_left3A : i32 to vector<16xi32>
        %shift_left3A_118 = arith.shli %sub3A_116, %shift_left3A_117 : vector<16xi32>
        %or3A = arith.ori %shift_left3A_118, %add3A_115 : vector<16xi32>
        %swap3A_119 = arith.index_cast %scan3A_90 : i32 to index
        %swap3A_120 = tpu.vector_load %arg8[%swap3A_119] masked %and3A_102 {strides = array<i32>} : memref<2080xi32, #tpu.memory_space<vmem>>, vector<16xi32>, vector<16xi1>
        tpu.vector_store %arg8[%swap3A_119], %or3A masked %and3A_102 {strides = array<i32>} : memref<2080xi32, #tpu.memory_space<vmem>>, vector<16xi32>, vector<16xi1>
        %add3A_121 = arith.addi %scan3A_90, %squeeze3A : i32
        %mul3A_122 = arith.constant 4 : i32
        %mul3A_123 = arith.muli %scan3A_89, %mul3A_122 : i32
        %add3A_124 = arith.constant 1 : i32
        %add3A_125 = arith.addi %mul3A_123, %add3A_124 : i32
        %mul3A_126 = arith.constant 16 : i32
        %mul3A_127 = arith.muli %add3A_125, %mul3A_126 : i32
        %get3A_128 = arith.index_cast %and3A_80 : i32 to index
        %get3A_129 = arith.index_cast %mul3A_127 : i32 to index
        %get3A_130 = tpu.vector_load %arg7[%get3A_128, %get3A_129] {strides = array<i32>} : memref<2x2048xi32, #tpu.memory_space<vmem>>, vector<16xi32>,
        %ge3A_131 = vector.broadcast %mul3A_11 : i32 to vector<16xi32>
        %ge3A_132 = arith.cmpi sge, %get3A_130, %ge3A_131 : vector<16xi32>
        %lt3A_133 = vector.broadcast %mul3A_13 : i32 to vector<16xi32>
        %lt3A_134 = arith.cmpi slt, %get3A_130, %lt3A_133 : vector<16xi32>
        %and3A_135 = arith.andi %ge3A_132, %lt3A_134 : vector<16xi1>
        %all_reduce_population_count3A_136 = tpu.all_reduce %and3A_135 {dim = 0 : i64, kind = #tpu.reduction_kind<sum>} : vector<16xi1> -> vector<16xi32>
        %slice3A_137 = vector.extract_strided_slice %all_reduce_population_count3A_136 {offsets = [0], sizes = [1], strides = [1]} : vector<16xi32> to vector<1xi32>
        %squeeze3A_138 = vector.extract %slice3A_137[0] : i32 from vector<1xi32>
        %mul3A_139 = arith.constant 2048 : i32
        %mul3A_140 = arith.muli %scan3A_78, %mul3A_139 : i32
        %add3A_141 = arith.constant 0 : i32
        %add3A_142 = arith.addi %add3A_141, %mul3A_140 : i32
        %mul3A_143 = arith.constant 4 : i32
        %mul3A_144 = arith.muli %scan3A_89, %mul3A_143 : i32
        %add3A_145 = arith.constant 1 : i32
        %add3A_146 = arith.addi %mul3A_144, %add3A_145 : i32
        %mul3A_147 = arith.constant 16 : i32
        %mul3A_148 = arith.muli %add3A_146, %mul3A_147 : i32
        %add3A_149 = arith.addi %add3A_142, %mul3A_148 : i32
        %add3A_150 = vector.broadcast %add3A_149 : i32 to vector<16xi32>
        %add3A_151 = arith.addi %add3A_150, %iota3A : vector<16xi32>
        %sub3A_152 = vector.broadcast %mul3A_11 : i32 to vector<16xi32>
        %sub3A_153 = arith.subi %get3A_130, %sub3A_152 : vector<16xi32>
        %shift_left3A_154 = arith.constant 16 : i32
        %shift_left3A_155 = vector.broadcast %shift_left3A_154 : i32 to vector<16xi32>
        %shift_left3A_156 = arith.shli %sub3A_153, %shift_left3A_155 : vector<16xi32>
        %or3A_157 = arith.ori %shift_left3A_156, %add3A_151 : vector<16xi32>
        %swap3A_158 = arith.index_cast %add3A_121 : i32 to index
        %swap3A_159 = tpu.vector_load %arg8[%swap3A_158] masked %and3A_135 {strides = array<i32>} : memref<2080xi32, #tpu.memory_space<vmem>>, vector<16xi32>, vector<16xi1>
        tpu.vector_store %arg8[%swap3A_158], %or3A_157 masked %and3A_135 {strides = array<i32>} : memref<2080xi32, #tpu.memory_space<vmem>>, vector<16xi32>, vector<16xi1>
        %add3A_160 = arith.addi %add3A_121, %squeeze3A_138 : i32
        %mul3A_161 = arith.constant 4 : i32
        %mul3A_162 = arith.muli %scan3A_89, %mul3A_161 : i32
        %add3A_163 = arith.constant 2 : i32
        %add3A_164 = arith.addi %mul3A_162, %add3A_163 : i32
        %mul3A_165 = arith.constant 16 : i32
        %mul3A_166 = arith.muli %add3A_164, %mul3A_165 : i32
        %get3A_167 = arith.index_cast %and3A_80 : i32 to index
        %get3A_168 = arith.index_cast %mul3A_166 : i32 to index
        %get3A_169 = tpu.vector_load %arg7[%get3A_167, %get3A_168] {strides = array<i32>} : memref<2x2048xi32, #tpu.memory_space<vmem>>, vector<16xi32>,
        %ge3A_170 = vector.broadcast %mul3A_11 : i32 to vector<16xi32>
        %ge3A_171 = arith.cmpi sge, %get3A_169, %ge3A_170 : vector<16xi32>
        %lt3A_172 = vector.broadcast %mul3A_13 : i32 to vector<16xi32>
        %lt3A_173 = arith.cmpi slt, %get3A_169, %lt3A_172 : vector<16xi32>
        %and3A_174 = arith.andi %ge3A_171, %lt3A_173 : vector<16xi1>
        %all_reduce_population_count3A_175 = tpu.all_reduce %and3A_174 {dim = 0 : i64, kind = #tpu.reduction_kind<sum>} : vector<16xi1> -> vector<16xi32>
        %slice3A_176 = vector.extract_strided_slice %all_reduce_population_count3A_175 {offsets = [0], sizes = [1], strides = [1]} : vector<16xi32> to vector<1xi32>
        %squeeze3A_177 = vector.extract %slice3A_176[0] : i32 from vector<1xi32>
        %mul3A_178 = arith.constant 2048 : i32
        %mul3A_179 = arith.muli %scan3A_78, %mul3A_178 : i32
        %add3A_180 = arith.constant 0 : i32
        %add3A_181 = arith.addi %add3A_180, %mul3A_179 : i32
        %mul3A_182 = arith.constant 4 : i32
        %mul3A_183 = arith.muli %scan3A_89, %mul3A_182 : i32
        %add3A_184 = arith.constant 2 : i32
        %add3A_185 = arith.addi %mul3A_183, %add3A_184 : i32
        %mul3A_186 = arith.constant 16 : i32
        %mul3A_187 = arith.muli %add3A_185, %mul3A_186 : i32
        %add3A_188 = arith.addi %add3A_181, %mul3A_187 : i32
        %add3A_189 = vector.broadcast %add3A_188 : i32 to vector<16xi32>
        %add3A_190 = arith.addi %add3A_189, %iota3A : vector<16xi32>
        %sub3A_191 = vector.broadcast %mul3A_11 : i32 to vector<16xi32>
        %sub3A_192 = arith.subi %get3A_169, %sub3A_191 : vector<16xi32>
        %shift_left3A_193 = arith.constant 16 : i32
        %shift_left3A_194 = vector.broadcast %shift_left3A_193 : i32 to vector<16xi32>
        %shift_left3A_195 = arith.shli %sub3A_192, %shift_left3A_194 : vector<16xi32>
        %or3A_196 = arith.ori %shift_left3A_195, %add3A_190 : vector<16xi32>
        %swap3A_197 = arith.index_cast %add3A_160 : i32 to index
        %swap3A_198 = tpu.vector_load %arg8[%swap3A_197] masked %and3A_174 {strides = array<i32>} : memref<2080xi32, #tpu.memory_space<vmem>>, vector<16xi32>, vector<16xi1>
        tpu.vector_store %arg8[%swap3A_197], %or3A_196 masked %and3A_174 {strides = array<i32>} : memref<2080xi32, #tpu.memory_space<vmem>>, vector<16xi32>, vector<16xi1>
        %add3A_199 = arith.addi %add3A_160, %squeeze3A_177 : i32
        %mul3A_200 = arith.constant 4 : i32
        %mul3A_201 = arith.muli %scan3A_89, %mul3A_200 : i32
        %add3A_202 = arith.constant 3 : i32
        %add3A_203 = arith.addi %mul3A_201, %add3A_202 : i32
        %mul3A_204 = arith.constant 16 : i32
        %mul3A_205 = arith.muli %add3A_203, %mul3A_204 : i32
        %get3A_206 = arith.index_cast %and3A_80 : i32 to index
        %get3A_207 = arith.index_cast %mul3A_205 : i32 to index
        %get3A_208 = tpu.vector_load %arg7[%get3A_206, %get3A_207] {strides = array<i32>} : memref<2x2048xi32, #tpu.memory_space<vmem>>, vector<16xi32>,
        %ge3A_209 = vector.broadcast %mul3A_11 : i32 to vector<16xi32>
        %ge3A_210 = arith.cmpi sge, %get3A_208, %ge3A_209 : vector<16xi32>
        %lt3A_211 = vector.broadcast %mul3A_13 : i32 to vector<16xi32>
        %lt3A_212 = arith.cmpi slt, %get3A_208, %lt3A_211 : vector<16xi32>
        %and3A_213 = arith.andi %ge3A_210, %lt3A_212 : vector<16xi1>
        %all_reduce_population_count3A_214 = tpu.all_reduce %and3A_213 {dim = 0 : i64, kind = #tpu.reduction_kind<sum>} : vector<16xi1> -> vector<16xi32>
        %slice3A_215 = vector.extract_strided_slice %all_reduce_population_count3A_214 {offsets = [0], sizes = [1], strides = [1]} : vector<16xi32> to vector<1xi32>
        %squeeze3A_216 = vector.extract %slice3A_215[0] : i32 from vector<1xi32>
        %mul3A_217 = arith.constant 2048 : i32
        %mul3A_218 = arith.muli %scan3A_78, %mul3A_217 : i32
        %add3A_219 = arith.constant 0 : i32
        %add3A_220 = arith.addi %add3A_219, %mul3A_218 : i32
        %mul3A_221 = arith.constant 4 : i32
        %mul3A_222 = arith.muli %scan3A_89, %mul3A_221 : i32
        %add3A_223 = arith.constant 3 : i32
        %add3A_224 = arith.addi %mul3A_222, %add3A_223 : i32
        %mul3A_225 = arith.constant 16 : i32
        %mul3A_226 = arith.muli %add3A_224, %mul3A_225 : i32
        %add3A_227 = arith.addi %add3A_220, %mul3A_226 : i32
        %add3A_228 = vector.broadcast %add3A_227 : i32 to vector<16xi32>
        %add3A_229 = arith.addi %add3A_228, %iota3A : vector<16xi32>
        %sub3A_230 = vector.broadcast %mul3A_11 : i32 to vector<16xi32>
        %sub3A_231 = arith.subi %get3A_208, %sub3A_230 : vector<16xi32>
        %shift_left3A_232 = arith.constant 16 : i32
        %shift_left3A_233 = vector.broadcast %shift_left3A_232 : i32 to vector<16xi32>
        %shift_left3A_234 = arith.shli %sub3A_231, %shift_left3A_233 : vector<16xi32>
        %or3A_235 = arith.ori %shift_left3A_234, %add3A_229 : vector<16xi32>
        %swap3A_236 = arith.index_cast %add3A_199 : i32 to index
        %swap3A_237 = tpu.vector_load %arg8[%swap3A_236] masked %and3A_213 {strides = array<i32>} : memref<2080xi32, #tpu.memory_space<vmem>>, vector<16xi32>, vector<16xi1>
        tpu.vector_store %arg8[%swap3A_236], %or3A_235 masked %and3A_213 {strides = array<i32>} : memref<2080xi32, #tpu.memory_space<vmem>>, vector<16xi32>, vector<16xi1>
        %add3A_238 = arith.addi %add3A_199, %squeeze3A_216 : i32
        scf.yield %add3A_238 : i32
      }
      %scan3A_88 = arith.constant 32 : i32
      scf.yield %scan3A_87 : i32
    }
    %scan3A_19 = arith.constant 8 : i32
    %scan3A_20 = arith.constant 0 : i32
    %scan3A_21 = arith.constant 8 : i32
    %scan3A_22 = arith.addi %scan3A_20, %scan3A_21 : i32
    %scan3A_23 = arith.constant 1 : i32
    %scan3A_24 = scf.for %scan3A_78 = %scan3A_20 to %scan3A_22 step %scan3A_23 iter_args(%scan3A_79 = %scan3A_18) -> (i32)  : i32 {
      %and3A = arith.constant 1 : i32
      %and3A_80 = arith.andi %scan3A_78, %and3A : i32
      %mul3A_81 = arith.constant 2048 : i32
      %mul3A_82 = arith.muli %scan3A_78, %mul3A_81 : i32
      "tpu.region"() ({
        %run_scoped3A = tpu.sem_alloc : memref<!tpu.dma_semaphore, #tpu.memory_space<semaphore_mem>>
        %dma_start3A = arith.constant 0 : i32
        %dma_start3A_89 = tpu.memref_slice %arg7[%and3A_80, %dma_start3A] : memref<2x2048xi32, #tpu.memory_space<vmem>> -> memref<1x2048xi32, #tpu.memory_space<vmem>>
        %dma_start3A_90 = tpu.memref_squeeze %dma_start3A_89 : memref<1x2048xi32, #tpu.memory_space<vmem>> -> memref<2048xi32, #tpu.memory_space<vmem>>
        %dma_start3A_91 = tpu.memref_slice %arg3[%mul3A_82] : memref<16384xi32, #tpu.memory_space<hbm>> -> memref<2048xi32, #tpu.memory_space<hbm>>
        %dma_start3A_92 = arith.constant 0 : i32
        %dma_start3A_93 = tpu.memref_slice %arg7[%and3A_80, %dma_start3A_92] : memref<2x2048xi32, #tpu.memory_space<vmem>> -> memref<1x2048xi32, #tpu.memory_space<vmem>>
        %dma_start3A_94 = tpu.memref_squeeze %dma_start3A_93 : memref<1x2048xi32, #tpu.memory_space<vmem>> -> memref<2048xi32, #tpu.memory_space<vmem>>
        %dma_start3A_95 = tpu.memref_slice %arg3[%mul3A_82] : memref<16384xi32, #tpu.memory_space<hbm>> -> memref<2048xi32, #tpu.memory_space<hbm>>
        tpu.enqueue_dma source(%dma_start3A_95 : memref<2048xi32, #tpu.memory_space<hbm>>) target(%dma_start3A_94 : memref<2048xi32, #tpu.memory_space<vmem>>) target_semaphore(%run_scoped3A : memref<!tpu.dma_semaphore, #tpu.memory_space<semaphore_mem>>)
        %dma_wait3A = arith.constant 0 : i32
        %dma_wait3A_96 = tpu.memref_slice %arg7[%and3A_80, %dma_wait3A] : memref<2x2048xi32, #tpu.memory_space<vmem>> -> memref<1x2048xi32, #tpu.memory_space<vmem>>
        %dma_wait3A_97 = tpu.memref_squeeze %dma_wait3A_96 : memref<1x2048xi32, #tpu.memory_space<vmem>> -> memref<2048xi32, #tpu.memory_space<vmem>>
        %dma_wait3A_98 = tpu.memref_slice %arg3[%mul3A_82] : memref<16384xi32, #tpu.memory_space<hbm>> -> memref<2048xi32, #tpu.memory_space<hbm>>
        %dma_wait3A_99 = arith.constant 0 : i32
        %dma_wait3A_100 = tpu.memref_slice %arg7[%and3A_80, %dma_wait3A_99] : memref<2x2048xi32, #tpu.memory_space<vmem>> -> memref<1x2048xi32, #tpu.memory_space<vmem>>
        %dma_wait3A_101 = tpu.memref_squeeze %dma_wait3A_100 : memref<1x2048xi32, #tpu.memory_space<vmem>> -> memref<2048xi32, #tpu.memory_space<vmem>>
        %dma_wait3A_102 = tpu.memref_slice %arg3[%mul3A_82] : memref<16384xi32, #tpu.memory_space<hbm>> -> memref<2048xi32, #tpu.memory_space<hbm>>
        tpu.wait_dma2 semaphore(%run_scoped3A : memref<!tpu.dma_semaphore, #tpu.memory_space<semaphore_mem>>) src(%dma_wait3A_102 : memref<2048xi32, #tpu.memory_space<hbm>>) dst(%dma_wait3A_101 : memref<2048xi32, #tpu.memory_space<vmem>>)
        tpu.yield
      }) : () -> ()
      %scan3A_83 = arith.constant 0 : i32
      %scan3A_84 = arith.constant 32 : i32
      %scan3A_85 = arith.addi %scan3A_83, %scan3A_84 : i32
      %scan3A_86 = arith.constant 1 : i32
      %scan3A_87 = scf.for %scan3A_89 = %scan3A_83 to %scan3A_85 step %scan3A_86 iter_args(%scan3A_90 = %scan3A_79) -> (i32)  : i32 {
        %mul3A_91 = arith.constant 4 : i32
        %mul3A_92 = arith.muli %scan3A_89, %mul3A_91 : i32
        %add3A_93 = arith.constant 0 : i32
        %add3A_94 = arith.addi %mul3A_92, %add3A_93 : i32
        %mul3A_95 = arith.constant 16 : i32
        %mul3A_96 = arith.muli %add3A_94, %mul3A_95 : i32
        %get3A = arith.index_cast %and3A_80 : i32 to index
        %get3A_97 = arith.index_cast %mul3A_96 : i32 to index
        %get3A_98 = tpu.vector_load %arg7[%get3A, %get3A_97] {strides = array<i32>} : memref<2x2048xi32, #tpu.memory_space<vmem>>, vector<16xi32>,
        %ge3A = vector.broadcast %mul3A_11 : i32 to vector<16xi32>
        %ge3A_99 = arith.cmpi sge, %get3A_98, %ge3A : vector<16xi32>
        %lt3A_100 = vector.broadcast %mul3A_13 : i32 to vector<16xi32>
        %lt3A_101 = arith.cmpi slt, %get3A_98, %lt3A_100 : vector<16xi32>
        %and3A_102 = arith.andi %ge3A_99, %lt3A_101 : vector<16xi1>
        %all_reduce_population_count3A = tpu.all_reduce %and3A_102 {dim = 0 : i64, kind = #tpu.reduction_kind<sum>} : vector<16xi1> -> vector<16xi32>
        %slice3A = vector.extract_strided_slice %all_reduce_population_count3A {offsets = [0], sizes = [1], strides = [1]} : vector<16xi32> to vector<1xi32>
        %squeeze3A = vector.extract %slice3A[0] : i32 from vector<1xi32>
        %mul3A_103 = arith.constant 2048 : i32
        %mul3A_104 = arith.muli %scan3A_78, %mul3A_103 : i32
        %add3A_105 = arith.constant 16384 : i32
        %add3A_106 = arith.addi %add3A_105, %mul3A_104 : i32
        %mul3A_107 = arith.constant 4 : i32
        %mul3A_108 = arith.muli %scan3A_89, %mul3A_107 : i32
        %add3A_109 = arith.constant 0 : i32
        %add3A_110 = arith.addi %mul3A_108, %add3A_109 : i32
        %mul3A_111 = arith.constant 16 : i32
        %mul3A_112 = arith.muli %add3A_110, %mul3A_111 : i32
        %add3A_113 = arith.addi %add3A_106, %mul3A_112 : i32
        %add3A_114 = vector.broadcast %add3A_113 : i32 to vector<16xi32>
        %add3A_115 = arith.addi %add3A_114, %iota3A : vector<16xi32>
        %sub3A = vector.broadcast %mul3A_11 : i32 to vector<16xi32>
        %sub3A_116 = arith.subi %get3A_98, %sub3A : vector<16xi32>
        %shift_left3A = arith.constant 16 : i32
        %shift_left3A_117 = vector.broadcast %shift_left3A : i32 to vector<16xi32>
        %shift_left3A_118 = arith.shli %sub3A_116, %shift_left3A_117 : vector<16xi32>
        %or3A = arith.ori %shift_left3A_118, %add3A_115 : vector<16xi32>
        %swap3A_119 = arith.index_cast %scan3A_90 : i32 to index
        %swap3A_120 = tpu.vector_load %arg8[%swap3A_119] masked %and3A_102 {strides = array<i32>} : memref<2080xi32, #tpu.memory_space<vmem>>, vector<16xi32>, vector<16xi1>
        tpu.vector_store %arg8[%swap3A_119], %or3A masked %and3A_102 {strides = array<i32>} : memref<2080xi32, #tpu.memory_space<vmem>>, vector<16xi32>, vector<16xi1>
        %add3A_121 = arith.addi %scan3A_90, %squeeze3A : i32
        %mul3A_122 = arith.constant 4 : i32
        %mul3A_123 = arith.muli %scan3A_89, %mul3A_122 : i32
        %add3A_124 = arith.constant 1 : i32
        %add3A_125 = arith.addi %mul3A_123, %add3A_124 : i32
        %mul3A_126 = arith.constant 16 : i32
        %mul3A_127 = arith.muli %add3A_125, %mul3A_126 : i32
        %get3A_128 = arith.index_cast %and3A_80 : i32 to index
        %get3A_129 = arith.index_cast %mul3A_127 : i32 to index
        %get3A_130 = tpu.vector_load %arg7[%get3A_128, %get3A_129] {strides = array<i32>} : memref<2x2048xi32, #tpu.memory_space<vmem>>, vector<16xi32>,
        %ge3A_131 = vector.broadcast %mul3A_11 : i32 to vector<16xi32>
        %ge3A_132 = arith.cmpi sge, %get3A_130, %ge3A_131 : vector<16xi32>
        %lt3A_133 = vector.broadcast %mul3A_13 : i32 to vector<16xi32>
        %lt3A_134 = arith.cmpi slt, %get3A_130, %lt3A_133 : vector<16xi32>
        %and3A_135 = arith.andi %ge3A_132, %lt3A_134 : vector<16xi1>
        %all_reduce_population_count3A_136 = tpu.all_reduce %and3A_135 {dim = 0 : i64, kind = #tpu.reduction_kind<sum>} : vector<16xi1> -> vector<16xi32>
        %slice3A_137 = vector.extract_strided_slice %all_reduce_population_count3A_136 {offsets = [0], sizes = [1], strides = [1]} : vector<16xi32> to vector<1xi32>
        %squeeze3A_138 = vector.extract %slice3A_137[0] : i32 from vector<1xi32>
        %mul3A_139 = arith.constant 2048 : i32
        %mul3A_140 = arith.muli %scan3A_78, %mul3A_139 : i32
        %add3A_141 = arith.constant 16384 : i32
        %add3A_142 = arith.addi %add3A_141, %mul3A_140 : i32
        %mul3A_143 = arith.constant 4 : i32
        %mul3A_144 = arith.muli %scan3A_89, %mul3A_143 : i32
        %add3A_145 = arith.constant 1 : i32
        %add3A_146 = arith.addi %mul3A_144, %add3A_145 : i32
        %mul3A_147 = arith.constant 16 : i32
        %mul3A_148 = arith.muli %add3A_146, %mul3A_147 : i32
        %add3A_149 = arith.addi %add3A_142, %mul3A_148 : i32
        %add3A_150 = vector.broadcast %add3A_149 : i32 to vector<16xi32>
        %add3A_151 = arith.addi %add3A_150, %iota3A : vector<16xi32>
        %sub3A_152 = vector.broadcast %mul3A_11 : i32 to vector<16xi32>
        %sub3A_153 = arith.subi %get3A_130, %sub3A_152 : vector<16xi32>
        %shift_left3A_154 = arith.constant 16 : i32
        %shift_left3A_155 = vector.broadcast %shift_left3A_154 : i32 to vector<16xi32>
        %shift_left3A_156 = arith.shli %sub3A_153, %shift_left3A_155 : vector<16xi32>
        %or3A_157 = arith.ori %shift_left3A_156, %add3A_151 : vector<16xi32>
        %swap3A_158 = arith.index_cast %add3A_121 : i32 to index
        %swap3A_159 = tpu.vector_load %arg8[%swap3A_158] masked %and3A_135 {strides = array<i32>} : memref<2080xi32, #tpu.memory_space<vmem>>, vector<16xi32>, vector<16xi1>
        tpu.vector_store %arg8[%swap3A_158], %or3A_157 masked %and3A_135 {strides = array<i32>} : memref<2080xi32, #tpu.memory_space<vmem>>, vector<16xi32>, vector<16xi1>
        %add3A_160 = arith.addi %add3A_121, %squeeze3A_138 : i32
        %mul3A_161 = arith.constant 4 : i32
        %mul3A_162 = arith.muli %scan3A_89, %mul3A_161 : i32
        %add3A_163 = arith.constant 2 : i32
        %add3A_164 = arith.addi %mul3A_162, %add3A_163 : i32
        %mul3A_165 = arith.constant 16 : i32
        %mul3A_166 = arith.muli %add3A_164, %mul3A_165 : i32
        %get3A_167 = arith.index_cast %and3A_80 : i32 to index
        %get3A_168 = arith.index_cast %mul3A_166 : i32 to index
        %get3A_169 = tpu.vector_load %arg7[%get3A_167, %get3A_168] {strides = array<i32>} : memref<2x2048xi32, #tpu.memory_space<vmem>>, vector<16xi32>,
        %ge3A_170 = vector.broadcast %mul3A_11 : i32 to vector<16xi32>
        %ge3A_171 = arith.cmpi sge, %get3A_169, %ge3A_170 : vector<16xi32>
        %lt3A_172 = vector.broadcast %mul3A_13 : i32 to vector<16xi32>
        %lt3A_173 = arith.cmpi slt, %get3A_169, %lt3A_172 : vector<16xi32>
        %and3A_174 = arith.andi %ge3A_171, %lt3A_173 : vector<16xi1>
        %all_reduce_population_count3A_175 = tpu.all_reduce %and3A_174 {dim = 0 : i64, kind = #tpu.reduction_kind<sum>} : vector<16xi1> -> vector<16xi32>
        %slice3A_176 = vector.extract_strided_slice %all_reduce_population_count3A_175 {offsets = [0], sizes = [1], strides = [1]} : vector<16xi32> to vector<1xi32>
        %squeeze3A_177 = vector.extract %slice3A_176[0] : i32 from vector<1xi32>
        %mul3A_178 = arith.constant 2048 : i32
        %mul3A_179 = arith.muli %scan3A_78, %mul3A_178 : i32
        %add3A_180 = arith.constant 16384 : i32
        %add3A_181 = arith.addi %add3A_180, %mul3A_179 : i32
        %mul3A_182 = arith.constant 4 : i32
        %mul3A_183 = arith.muli %scan3A_89, %mul3A_182 : i32
        %add3A_184 = arith.constant 2 : i32
        %add3A_185 = arith.addi %mul3A_183, %add3A_184 : i32
        %mul3A_186 = arith.constant 16 : i32
        %mul3A_187 = arith.muli %add3A_185, %mul3A_186 : i32
        %add3A_188 = arith.addi %add3A_181, %mul3A_187 : i32
        %add3A_189 = vector.broadcast %add3A_188 : i32 to vector<16xi32>
        %add3A_190 = arith.addi %add3A_189, %iota3A : vector<16xi32>
        %sub3A_191 = vector.broadcast %mul3A_11 : i32 to vector<16xi32>
        %sub3A_192 = arith.subi %get3A_169, %sub3A_191 : vector<16xi32>
        %shift_left3A_193 = arith.constant 16 : i32
        %shift_left3A_194 = vector.broadcast %shift_left3A_193 : i32 to vector<16xi32>
        %shift_left3A_195 = arith.shli %sub3A_192, %shift_left3A_194 : vector<16xi32>
        %or3A_196 = arith.ori %shift_left3A_195, %add3A_190 : vector<16xi32>
        %swap3A_197 = arith.index_cast %add3A_160 : i32 to index
        %swap3A_198 = tpu.vector_load %arg8[%swap3A_197] masked %and3A_174 {strides = array<i32>} : memref<2080xi32, #tpu.memory_space<vmem>>, vector<16xi32>, vector<16xi1>
        tpu.vector_store %arg8[%swap3A_197], %or3A_196 masked %and3A_174 {strides = array<i32>} : memref<2080xi32, #tpu.memory_space<vmem>>, vector<16xi32>, vector<16xi1>
        %add3A_199 = arith.addi %add3A_160, %squeeze3A_177 : i32
        %mul3A_200 = arith.constant 4 : i32
        %mul3A_201 = arith.muli %scan3A_89, %mul3A_200 : i32
        %add3A_202 = arith.constant 3 : i32
        %add3A_203 = arith.addi %mul3A_201, %add3A_202 : i32
        %mul3A_204 = arith.constant 16 : i32
        %mul3A_205 = arith.muli %add3A_203, %mul3A_204 : i32
        %get3A_206 = arith.index_cast %and3A_80 : i32 to index
        %get3A_207 = arith.index_cast %mul3A_205 : i32 to index
        %get3A_208 = tpu.vector_load %arg7[%get3A_206, %get3A_207] {strides = array<i32>} : memref<2x2048xi32, #tpu.memory_space<vmem>>, vector<16xi32>,
        %ge3A_209 = vector.broadcast %mul3A_11 : i32 to vector<16xi32>
        %ge3A_210 = arith.cmpi sge, %get3A_208, %ge3A_209 : vector<16xi32>
        %lt3A_211 = vector.broadcast %mul3A_13 : i32 to vector<16xi32>
        %lt3A_212 = arith.cmpi slt, %get3A_208, %lt3A_211 : vector<16xi32>
        %and3A_213 = arith.andi %ge3A_210, %lt3A_212 : vector<16xi1>
        %all_reduce_population_count3A_214 = tpu.all_reduce %and3A_213 {dim = 0 : i64, kind = #tpu.reduction_kind<sum>} : vector<16xi1> -> vector<16xi32>
        %slice3A_215 = vector.extract_strided_slice %all_reduce_population_count3A_214 {offsets = [0], sizes = [1], strides = [1]} : vector<16xi32> to vector<1xi32>
        %squeeze3A_216 = vector.extract %slice3A_215[0] : i32 from vector<1xi32>
        %mul3A_217 = arith.constant 2048 : i32
        %mul3A_218 = arith.muli %scan3A_78, %mul3A_217 : i32
        %add3A_219 = arith.constant 16384 : i32
        %add3A_220 = arith.addi %add3A_219, %mul3A_218 : i32
        %mul3A_221 = arith.constant 4 : i32
        %mul3A_222 = arith.muli %scan3A_89, %mul3A_221 : i32
        %add3A_223 = arith.constant 3 : i32
        %add3A_224 = arith.addi %mul3A_222, %add3A_223 : i32
        %mul3A_225 = arith.constant 16 : i32
        %mul3A_226 = arith.muli %add3A_224, %mul3A_225 : i32
        %add3A_227 = arith.addi %add3A_220, %mul3A_226 : i32
        %add3A_228 = vector.broadcast %add3A_227 : i32 to vector<16xi32>
        %add3A_229 = arith.addi %add3A_228, %iota3A : vector<16xi32>
        %sub3A_230 = vector.broadcast %mul3A_11 : i32 to vector<16xi32>
        %sub3A_231 = arith.subi %get3A_208, %sub3A_230 : vector<16xi32>
        %shift_left3A_232 = arith.constant 16 : i32
        %shift_left3A_233 = vector.broadcast %shift_left3A_232 : i32 to vector<16xi32>
        %shift_left3A_234 = arith.shli %sub3A_231, %shift_left3A_233 : vector<16xi32>
        %or3A_235 = arith.ori %shift_left3A_234, %add3A_229 : vector<16xi32>
        %swap3A_236 = arith.index_cast %add3A_199 : i32 to index
        %swap3A_237 = tpu.vector_load %arg8[%swap3A_236] masked %and3A_213 {strides = array<i32>} : memref<2080xi32, #tpu.memory_space<vmem>>, vector<16xi32>, vector<16xi1>
        tpu.vector_store %arg8[%swap3A_236], %or3A_235 masked %and3A_213 {strides = array<i32>} : memref<2080xi32, #tpu.memory_space<vmem>>, vector<16xi32>, vector<16xi1>
        %add3A_238 = arith.addi %add3A_199, %squeeze3A_216 : i32
        scf.yield %add3A_238 : i32
      }
      %scan3A_88 = arith.constant 32 : i32
      scf.yield %scan3A_87 : i32
    }
    %scan3A_25 = arith.constant 8 : i32
    %broadcast_in_dim3A = arith.constant -1 : i32
    %broadcast_in_dim3A_26 = vector.broadcast %broadcast_in_dim3A : i32 to vector<16xi32>
    %swap3A = arith.index_cast %scan3A_24 : i32 to index
    %swap3A_27 = tpu.vector_load %arg8[%swap3A] {strides = array<i32>} : memref<2080xi32, #tpu.memory_space<vmem>>, vector<16xi32>,
    tpu.vector_store %arg8[%swap3A], %broadcast_in_dim3A_26 {strides = array<i32>} : memref<2080xi32, #tpu.memory_space<vmem>>, vector<16xi32>,
    %add3A_28 = arith.constant 0 : i32
    %add3A_29 = arith.addi %add3A_4, %add3A_28 : i32
    %add3A_30 = arith.constant 8 : i32
    %add3A_31 = arith.addi %add3A_29, %add3A_30 : i32
    %min3A_32 = arith.constant 7812 : i32
    %min3A_33 = arith.minsi %add3A_9, %min3A_32 : i32
    %le3A = arith.cmpi sle, %add3A_31, %min3A_33 : i32
    %convert_element_type3A = arith.extui %le3A : i1 to i32
    %cond3A = arith.constant 0 : i32
    %cond3A_34 = arith.cmpi ne, %convert_element_type3A, %cond3A : i32
    scf.if %cond3A_34 {
      %mul3A_78 = arith.constant 128 : i32
      %mul3A_79 = arith.muli %add3A_29, %mul3A_78 : i32
      %multiple_of3A = tpu.assume_multiple %mul3A_79, 128 : i32
      %dma_start3A = arith.constant 0 : i32
      %dma_start3A_80 = arith.constant 0 : i32
      %dma_start3A_81 = arith.constant 0 : i32
      %dma_start3A_82 = tpu.memref_slice %arg10[%dma_start3A, %dma_start3A_80, %dma_start3A_81] : memref<2x32x1024xf32, #tpu.memory_space<vmem>> -> memref<1x32x1024xf32, #tpu.memory_space<vmem>>
      %dma_start3A_83 = tpu.memref_squeeze %dma_start3A_82 : memref<1x32x1024xf32, #tpu.memory_space<vmem>> -> memref<32x1024xf32, #tpu.memory_space<vmem>>
      %dma_start3A_84 = arith.constant 0 : i32
      %dma_start3A_85 = tpu.memref_slice %arg4[%dma_start3A_84, %multiple_of3A] : memref<32x1000000xf32, #tpu.memory_space<hbm>> -> memref<32x1024xf32, #tpu.memory_space<hbm>>
      %dma_start3A_86 = arith.constant 0 : i32
      %dma_start3A_87 = arith.constant 0 : i32
      %dma_start3A_88 = tpu.memref_slice %arg10[%dma_start3A, %dma_start3A_86, %dma_start3A_87] : memref<2x32x1024xf32, #tpu.memory_space<vmem>> -> memref<1x32x1024xf32, #tpu.memory_space<vmem>>
      %dma_start3A_89 = tpu.memref_squeeze %dma_start3A_88 : memref<1x32x1024xf32, #tpu.memory_space<vmem>> -> memref<32x1024xf32, #tpu.memory_space<vmem>>
      %dma_start3A_90 = arith.constant 0 : i32
      %dma_start3A_91 = tpu.memref_slice %arg4[%dma_start3A_90, %multiple_of3A] : memref<32x1000000xf32, #tpu.memory_space<hbm>> -> memref<32x1024xf32, #tpu.memory_space<hbm>>
      tpu.enqueue_dma source(%dma_start3A_91 : memref<32x1024xf32, #tpu.memory_space<hbm>>) target(%dma_start3A_89 : memref<32x1024xf32, #tpu.memory_space<vmem>>) target_semaphore(%arg12 : memref<!tpu.dma_semaphore, #tpu.memory_space<semaphore_mem>>)
    } else {
    }
    %add3A_35 = arith.constant 8 : i32
    %add3A_36 = arith.addi %add3A_29, %add3A_35 : i32
    %min3A_37 = arith.constant 7812 : i32
    %min3A_38 = arith.minsi %add3A_9, %min3A_37 : i32
    %gt3A = arith.cmpi sgt, %add3A_36, %min3A_38 : i32
    %convert_element_type3A_39 = arith.extui %gt3A : i1 to i32
    %cond3A_40 = arith.constant 0 : i32
    %cond3A_41 = arith.cmpi ne, %convert_element_type3A_39, %cond3A_40 : i32
    scf.if %cond3A_41 {
      %min3A_78 = arith.constant 7812 : i32
      %min3A_79 = arith.minsi %add3A_9, %min3A_78 : i32
      %sub3A = arith.subi %min3A_79, %add3A_29 : i32
      %jit3A_80 = arith.constant 0 : i32
      %jit3A_81 = arith.constant 8 : i32
      %max3A = arith.maxsi %jit3A_80, %sub3A : i32
      %min3A_82 = arith.minsi %jit3A_81, %max3A : i32
      %while3A_83 = arith.constant 0 : i32
      %while3A_84 = arith.constant 0 : i32
      %while3A_85 = arith.subi %min3A_82, %while3A_84 : i32
      %while3A_86 = arith.addi %while3A_84, %while3A_85 : i32
      %while3A_87 = arith.constant 1 : i32
      %while3A_88 = arith.divsi %while3A_85, %while3A_87 : i32
      %while3A_89 = arith.muli %while3A_88, %while3A_87 : i32
      %while3A_90 = arith.addi %while3A_84, %while3A_89 : i32
      %while3A_91 = arith.constant 1 : i32
      scf.for %while3A_105 = %while3A_84 to %while3A_90 step %while3A_91  : i32 {
        %add3A_106 = arith.addi %add3A_29, %while3A_105 : i32
        %mul3A_107 = arith.constant 128 : i32
        %mul3A_108 = arith.muli %add3A_106, %mul3A_107 : i32
        %multiple_of3A = tpu.assume_multiple %mul3A_108, 128 : i32
        %mul3A_109 = arith.constant 128 : i32
        %mul3A_110 = arith.muli %while3A_105, %mul3A_109 : i32
        %dma_start3A = arith.constant 0 : i32
        %dma_start3A_111 = arith.constant 0 : i32
        %dma_start3A_112 = tpu.memref_slice %arg10[%dma_start3A, %dma_start3A_111, %mul3A_110] : memref<2x32x1024xf32, #tpu.memory_space<vmem>> -> memref<1x32x128xf32, #tpu.memory_space<vmem>>
        %dma_start3A_113 = tpu.memref_squeeze %dma_start3A_112 : memref<1x32x128xf32, #tpu.memory_space<vmem>> -> memref<32x128xf32, #tpu.memory_space<vmem>>
        %dma_start3A_114 = arith.constant 0 : i32
        %dma_start3A_115 = tpu.memref_slice %arg4[%dma_start3A_114, %multiple_of3A] : memref<32x1000000xf32, #tpu.memory_space<hbm>> -> memref<32x128xf32, #tpu.memory_space<hbm>>
        %dma_start3A_116 = arith.constant 0 : i32
        %dma_start3A_117 = tpu.memref_slice %arg10[%dma_start3A, %dma_start3A_116, %mul3A_110] : memref<2x32x1024xf32, #tpu.memory_space<vmem>> -> memref<1x32x128xf32, #tpu.memory_space<vmem>>
        %dma_start3A_118 = tpu.memref_squeeze %dma_start3A_117 : memref<1x32x128xf32, #tpu.memory_space<vmem>> -> memref<32x128xf32, #tpu.memory_space<vmem>>
        %dma_start3A_119 = arith.constant 0 : i32
        %dma_start3A_120 = tpu.memref_slice %arg4[%dma_start3A_119, %multiple_of3A] : memref<32x1000000xf32, #tpu.memory_space<hbm>> -> memref<32x128xf32, #tpu.memory_space<hbm>>
        tpu.enqueue_dma source(%dma_start3A_120 : memref<32x128xf32, #tpu.memory_space<hbm>>) target(%dma_start3A_118 : memref<32x128xf32, #tpu.memory_space<vmem>>) target_semaphore(%arg12 : memref<!tpu.dma_semaphore, #tpu.memory_space<semaphore_mem>>)
      }
      %while3A_92 = arith.constant 1 : i32
      scf.for %while3A_105 = %while3A_90 to %while3A_86 step %while3A_92  : i32 {
        %add3A_106 = arith.addi %add3A_29, %while3A_105 : i32
        %mul3A_107 = arith.constant 128 : i32
        %mul3A_108 = arith.muli %add3A_106, %mul3A_107 : i32
        %multiple_of3A = tpu.assume_multiple %mul3A_108, 128 : i32
        %mul3A_109 = arith.constant 128 : i32
        %mul3A_110 = arith.muli %while3A_105, %mul3A_109 : i32
        %dma_start3A = arith.constant 0 : i32
        %dma_start3A_111 = arith.constant 0 : i32
        %dma_start3A_112 = tpu.memref_slice %arg10[%dma_start3A, %dma_start3A_111, %mul3A_110] : memref<2x32x1024xf32, #tpu.memory_space<vmem>> -> memref<1x32x128xf32, #tpu.memory_space<vmem>>
        %dma_start3A_113 = tpu.memref_squeeze %dma_start3A_112 : memref<1x32x128xf32, #tpu.memory_space<vmem>> -> memref<32x128xf32, #tpu.memory_space<vmem>>
        %dma_start3A_114 = arith.constant 0 : i32
        %dma_start3A_115 = tpu.memref_slice %arg4[%dma_start3A_114, %multiple_of3A] : memref<32x1000000xf32, #tpu.memory_space<hbm>> -> memref<32x128xf32, #tpu.memory_space<hbm>>
        %dma_start3A_116 = arith.constant 0 : i32
        %dma_start3A_117 = tpu.memref_slice %arg10[%dma_start3A, %dma_start3A_116, %mul3A_110] : memref<2x32x1024xf32, #tpu.memory_space<vmem>> -> memref<1x32x128xf32, #tpu.memory_space<vmem>>
        %dma_start3A_118 = tpu.memref_squeeze %dma_start3A_117 : memref<1x32x128xf32, #tpu.memory_space<vmem>> -> memref<32x128xf32, #tpu.memory_space<vmem>>
        %dma_start3A_119 = arith.constant 0 : i32
        %dma_start3A_120 = tpu.memref_slice %arg4[%dma_start3A_119, %multiple_of3A] : memref<32x1000000xf32, #tpu.memory_space<hbm>> -> memref<32x128xf32, #tpu.memory_space<hbm>>
        tpu.enqueue_dma source(%dma_start3A_120 : memref<32x128xf32, #tpu.memory_space<hbm>>) target(%dma_start3A_118 : memref<32x128xf32, #tpu.memory_space<vmem>>) target_semaphore(%arg12 : memref<!tpu.dma_semaphore, #tpu.memory_space<semaphore_mem>>)
      }
      %le3A_93 = arith.constant 7812 : i32
      %le3A_94 = arith.cmpi sle, %add3A_29, %le3A_93 : i32
      %add3A_95 = arith.constant 8 : i32
      %add3A_96 = arith.addi %add3A_29, %add3A_95 : i32
      %gt3A_97 = arith.constant 7812 : i32
      %gt3A_98 = arith.cmpi sgt, %add3A_96, %gt3A_97 : i32
      %and3A = arith.andi %le3A_94, %gt3A_98 : i1
      %gt3A_99 = arith.constant 7812 : i32
      %gt3A_100 = arith.cmpi sgt, %add3A_9, %gt3A_99 : i32
      %and3A_101 = arith.andi %and3A, %gt3A_100 : i1
      %convert_element_type3A_102 = arith.extui %and3A_101 : i1 to i32
      %cond3A_103 = arith.constant 0 : i32
      %cond3A_104 = arith.cmpi ne, %convert_element_type3A_102, %cond3A_103 : i32
      scf.if %cond3A_104 {
        %sub3A_105 = arith.constant 7812 : i32
        %sub3A_106 = arith.subi %sub3A_105, %add3A_29 : i32
        %mul3A_107 = arith.constant 128 : i32
        %mul3A_108 = arith.muli %sub3A_106, %mul3A_107 : i32
        %dma_start3A = arith.constant 0 : i32
        %dma_start3A_109 = arith.constant 0 : i32
        %dma_start3A_110 = tpu.memref_slice %arg10[%dma_start3A, %dma_start3A_109, %mul3A_108] : memref<2x32x1024xf32, #tpu.memory_space<vmem>> -> memref<1x32x128xf32, #tpu.memory_space<vmem>>
        %dma_start3A_111 = tpu.memref_squeeze %dma_start3A_110 : memref<1x32x128xf32, #tpu.memory_space<vmem>> -> memref<32x128xf32, #tpu.memory_space<vmem>>
        %dma_start3A_112 = arith.constant 0 : i32
        %dma_start3A_113 = tpu.memref_slice %arg10[%dma_start3A, %dma_start3A_112, %mul3A_108] : memref<2x32x1024xf32, #tpu.memory_space<vmem>> -> memref<1x32x128xf32, #tpu.memory_space<vmem>>
        %dma_start3A_114 = tpu.memref_squeeze %dma_start3A_113 : memref<1x32x128xf32, #tpu.memory_space<vmem>> -> memref<32x128xf32, #tpu.memory_space<vmem>>
        tpu.enqueue_dma source(%arg5 : memref<32x128xf32, #tpu.memory_space<hbm>>) target(%dma_start3A_114 : memref<32x128xf32, #tpu.memory_space<vmem>>) target_semaphore(%arg12 : memref<!tpu.dma_semaphore, #tpu.memory_space<semaphore_mem>>)
      } else {
      }
    } else {
    }
    %add3A_42 = arith.constant 8 : i32
    %add3A_43 = arith.addi %add3A_4, %add3A_42 : i32
    %add3A_44 = arith.constant 8 : i32
    %add3A_45 = arith.addi %add3A_43, %add3A_44 : i32
    %min3A_46 = arith.constant 7812 : i32
    %min3A_47 = arith.minsi %add3A_9, %min3A_46 : i32
    %le3A_48 = arith.cmpi sle, %add3A_45, %min3A_47 : i32
    %convert_element_type3A_49 = arith.extui %le3A_48 : i1 to i32
    %cond3A_50 = arith.constant 0 : i32
    %cond3A_51 = arith.cmpi ne, %convert_element_type3A_49, %cond3A_50 : i32
    scf.if %cond3A_51 {
      %mul3A_78 = arith.constant 128 : i32
      %mul3A_79 = arith.muli %add3A_43, %mul3A_78 : i32
      %multiple_of3A = tpu.assume_multiple %mul3A_79, 128 : i32
      %dma_start3A = arith.constant 1 : i32
      %dma_start3A_80 = arith.constant 0 : i32
      %dma_start3A_81 = arith.constant 0 : i32
      %dma_start3A_82 = tpu.memref_slice %arg10[%dma_start3A, %dma_start3A_80, %dma_start3A_81] : memref<2x32x1024xf32, #tpu.memory_space<vmem>> -> memref<1x32x1024xf32, #tpu.memory_space<vmem>>
      %dma_start3A_83 = tpu.memref_squeeze %dma_start3A_82 : memref<1x32x1024xf32, #tpu.memory_space<vmem>> -> memref<32x1024xf32, #tpu.memory_space<vmem>>
      %dma_start3A_84 = arith.constant 0 : i32
      %dma_start3A_85 = tpu.memref_slice %arg4[%dma_start3A_84, %multiple_of3A] : memref<32x1000000xf32, #tpu.memory_space<hbm>> -> memref<32x1024xf32, #tpu.memory_space<hbm>>
      %dma_start3A_86 = arith.constant 0 : i32
      %dma_start3A_87 = arith.constant 0 : i32
      %dma_start3A_88 = tpu.memref_slice %arg10[%dma_start3A, %dma_start3A_86, %dma_start3A_87] : memref<2x32x1024xf32, #tpu.memory_space<vmem>> -> memref<1x32x1024xf32, #tpu.memory_space<vmem>>
      %dma_start3A_89 = tpu.memref_squeeze %dma_start3A_88 : memref<1x32x1024xf32, #tpu.memory_space<vmem>> -> memref<32x1024xf32, #tpu.memory_space<vmem>>
      %dma_start3A_90 = arith.constant 0 : i32
      %dma_start3A_91 = tpu.memref_slice %arg4[%dma_start3A_90, %multiple_of3A] : memref<32x1000000xf32, #tpu.memory_space<hbm>> -> memref<32x1024xf32, #tpu.memory_space<hbm>>
      tpu.enqueue_dma source(%dma_start3A_91 : memref<32x1024xf32, #tpu.memory_space<hbm>>) target(%dma_start3A_89 : memref<32x1024xf32, #tpu.memory_space<vmem>>) target_semaphore(%arg12 : memref<!tpu.dma_semaphore, #tpu.memory_space<semaphore_mem>>)
    } else {
    }
    %add3A_52 = arith.constant 8 : i32
    %add3A_53 = arith.addi %add3A_43, %add3A_52 : i32
    %min3A_54 = arith.constant 7812 : i32
    %min3A_55 = arith.minsi %add3A_9, %min3A_54 : i32
    %gt3A_56 = arith.cmpi sgt, %add3A_53, %min3A_55 : i32
    %convert_element_type3A_57 = arith.extui %gt3A_56 : i1 to i32
    %cond3A_58 = arith.constant 0 : i32
    %cond3A_59 = arith.cmpi ne, %convert_element_type3A_57, %cond3A_58 : i32
    scf.if %cond3A_59 {
      %min3A_78 = arith.constant 7812 : i32
      %min3A_79 = arith.minsi %add3A_9, %min3A_78 : i32
      %sub3A = arith.subi %min3A_79, %add3A_43 : i32
      %jit3A_80 = arith.constant 0 : i32
      %jit3A_81 = arith.constant 8 : i32
      %max3A = arith.maxsi %jit3A_80, %sub3A : i32
      %min3A_82 = arith.minsi %jit3A_81, %max3A : i32
      %while3A_83 = arith.constant 0 : i32
      %while3A_84 = arith.constant 0 : i32
      %while3A_85 = arith.subi %min3A_82, %while3A_84 : i32
      %while3A_86 = arith.addi %while3A_84, %while3A_85 : i32
      %while3A_87 = arith.constant 1 : i32
      %while3A_88 = arith.divsi %while3A_85, %while3A_87 : i32
      %while3A_89 = arith.muli %while3A_88, %while3A_87 : i32
      %while3A_90 = arith.addi %while3A_84, %while3A_89 : i32
      %while3A_91 = arith.constant 1 : i32
      scf.for %while3A_105 = %while3A_84 to %while3A_90 step %while3A_91  : i32 {
        %add3A_106 = arith.addi %add3A_43, %while3A_105 : i32
        %mul3A_107 = arith.constant 128 : i32
        %mul3A_108 = arith.muli %add3A_106, %mul3A_107 : i32
        %multiple_of3A = tpu.assume_multiple %mul3A_108, 128 : i32
        %mul3A_109 = arith.constant 128 : i32
        %mul3A_110 = arith.muli %while3A_105, %mul3A_109 : i32
        %dma_start3A = arith.constant 1 : i32
        %dma_start3A_111 = arith.constant 0 : i32
        %dma_start3A_112 = tpu.memref_slice %arg10[%dma_start3A, %dma_start3A_111, %mul3A_110] : memref<2x32x1024xf32, #tpu.memory_space<vmem>> -> memref<1x32x128xf32, #tpu.memory_space<vmem>>
        %dma_start3A_113 = tpu.memref_squeeze %dma_start3A_112 : memref<1x32x128xf32, #tpu.memory_space<vmem>> -> memref<32x128xf32, #tpu.memory_space<vmem>>
        %dma_start3A_114 = arith.constant 0 : i32
        %dma_start3A_115 = tpu.memref_slice %arg4[%dma_start3A_114, %multiple_of3A] : memref<32x1000000xf32, #tpu.memory_space<hbm>> -> memref<32x128xf32, #tpu.memory_space<hbm>>
        %dma_start3A_116 = arith.constant 0 : i32
        %dma_start3A_117 = tpu.memref_slice %arg10[%dma_start3A, %dma_start3A_116, %mul3A_110] : memref<2x32x1024xf32, #tpu.memory_space<vmem>> -> memref<1x32x128xf32, #tpu.memory_space<vmem>>
        %dma_start3A_118 = tpu.memref_squeeze %dma_start3A_117 : memref<1x32x128xf32, #tpu.memory_space<vmem>> -> memref<32x128xf32, #tpu.memory_space<vmem>>
        %dma_start3A_119 = arith.constant 0 : i32
        %dma_start3A_120 = tpu.memref_slice %arg4[%dma_start3A_119, %multiple_of3A] : memref<32x1000000xf32, #tpu.memory_space<hbm>> -> memref<32x128xf32, #tpu.memory_space<hbm>>
        tpu.enqueue_dma source(%dma_start3A_120 : memref<32x128xf32, #tpu.memory_space<hbm>>) target(%dma_start3A_118 : memref<32x128xf32, #tpu.memory_space<vmem>>) target_semaphore(%arg12 : memref<!tpu.dma_semaphore, #tpu.memory_space<semaphore_mem>>)
      }
      %while3A_92 = arith.constant 1 : i32
      scf.for %while3A_105 = %while3A_90 to %while3A_86 step %while3A_92  : i32 {
        %add3A_106 = arith.addi %add3A_43, %while3A_105 : i32
        %mul3A_107 = arith.constant 128 : i32
        %mul3A_108 = arith.muli %add3A_106, %mul3A_107 : i32
        %multiple_of3A = tpu.assume_multiple %mul3A_108, 128 : i32
        %mul3A_109 = arith.constant 128 : i32
        %mul3A_110 = arith.muli %while3A_105, %mul3A_109 : i32
        %dma_start3A = arith.constant 1 : i32
        %dma_start3A_111 = arith.constant 0 : i32
        %dma_start3A_112 = tpu.memref_slice %arg10[%dma_start3A, %dma_start3A_111, %mul3A_110] : memref<2x32x1024xf32, #tpu.memory_space<vmem>> -> memref<1x32x128xf32, #tpu.memory_space<vmem>>
        %dma_start3A_113 = tpu.memref_squeeze %dma_start3A_112 : memref<1x32x128xf32, #tpu.memory_space<vmem>> -> memref<32x128xf32, #tpu.memory_space<vmem>>
        %dma_start3A_114 = arith.constant 0 : i32
        %dma_start3A_115 = tpu.memref_slice %arg4[%dma_start3A_114, %multiple_of3A] : memref<32x1000000xf32, #tpu.memory_space<hbm>> -> memref<32x128xf32, #tpu.memory_space<hbm>>
        %dma_start3A_116 = arith.constant 0 : i32
        %dma_start3A_117 = tpu.memref_slice %arg10[%dma_start3A, %dma_start3A_116, %mul3A_110] : memref<2x32x1024xf32, #tpu.memory_space<vmem>> -> memref<1x32x128xf32, #tpu.memory_space<vmem>>
        %dma_start3A_118 = tpu.memref_squeeze %dma_start3A_117 : memref<1x32x128xf32, #tpu.memory_space<vmem>> -> memref<32x128xf32, #tpu.memory_space<vmem>>
        %dma_start3A_119 = arith.constant 0 : i32
        %dma_start3A_120 = tpu.memref_slice %arg4[%dma_start3A_119, %multiple_of3A] : memref<32x1000000xf32, #tpu.memory_space<hbm>> -> memref<32x128xf32, #tpu.memory_space<hbm>>
        tpu.enqueue_dma source(%dma_start3A_120 : memref<32x128xf32, #tpu.memory_space<hbm>>) target(%dma_start3A_118 : memref<32x128xf32, #tpu.memory_space<vmem>>) target_semaphore(%arg12 : memref<!tpu.dma_semaphore, #tpu.memory_space<semaphore_mem>>)
      }
      %le3A_93 = arith.constant 7812 : i32
      %le3A_94 = arith.cmpi sle, %add3A_43, %le3A_93 : i32
      %add3A_95 = arith.constant 8 : i32
      %add3A_96 = arith.addi %add3A_43, %add3A_95 : i32
      %gt3A_97 = arith.constant 7812 : i32
      %gt3A_98 = arith.cmpi sgt, %add3A_96, %gt3A_97 : i32
      %and3A = arith.andi %le3A_94, %gt3A_98 : i1
      %gt3A_99 = arith.constant 7812 : i32
      %gt3A_100 = arith.cmpi sgt, %add3A_9, %gt3A_99 : i32
      %and3A_101 = arith.andi %and3A, %gt3A_100 : i1
      %convert_element_type3A_102 = arith.extui %and3A_101 : i1 to i32
      %cond3A_103 = arith.constant 0 : i32
      %cond3A_104 = arith.cmpi ne, %convert_element_type3A_102, %cond3A_103 : i32
      scf.if %cond3A_104 {
        %sub3A_105 = arith.constant 7812 : i32
        %sub3A_106 = arith.subi %sub3A_105, %add3A_43 : i32
        %mul3A_107 = arith.constant 128 : i32
        %mul3A_108 = arith.muli %sub3A_106, %mul3A_107 : i32
        %dma_start3A = arith.constant 1 : i32
        %dma_start3A_109 = arith.constant 0 : i32
        %dma_start3A_110 = tpu.memref_slice %arg10[%dma_start3A, %dma_start3A_109, %mul3A_108] : memref<2x32x1024xf32, #tpu.memory_space<vmem>> -> memref<1x32x128xf32, #tpu.memory_space<vmem>>
        %dma_start3A_111 = tpu.memref_squeeze %dma_start3A_110 : memref<1x32x128xf32, #tpu.memory_space<vmem>> -> memref<32x128xf32, #tpu.memory_space<vmem>>
        %dma_start3A_112 = arith.constant 0 : i32
        %dma_start3A_113 = tpu.memref_slice %arg10[%dma_start3A, %dma_start3A_112, %mul3A_108] : memref<2x32x1024xf32, #tpu.memory_space<vmem>> -> memref<1x32x128xf32, #tpu.memory_space<vmem>>
        %dma_start3A_114 = tpu.memref_squeeze %dma_start3A_113 : memref<1x32x128xf32, #tpu.memory_space<vmem>> -> memref<32x128xf32, #tpu.memory_space<vmem>>
        tpu.enqueue_dma source(%arg5 : memref<32x128xf32, #tpu.memory_space<hbm>>) target(%dma_start3A_114 : memref<32x128xf32, #tpu.memory_space<vmem>>) target_semaphore(%arg12 : memref<!tpu.dma_semaphore, #tpu.memory_space<semaphore_mem>>)
      } else {
      }
    } else {
    }
    %scan3A_60 = arith.constant 0 : i32
    %scan3A_61 = arith.constant 0 : i32
    %scan3A_62 = arith.constant 31 : i32
    %scan3A_63 = arith.addi %scan3A_61, %scan3A_62 : i32
    %scan3A_64 = arith.constant 1 : i32
    %scan3A_65 = scf.for %scan3A_78 = %scan3A_61 to %scan3A_63 step %scan3A_64 iter_args(%scan3A_79 = %scan3A_60) -> (i32)  : i32 {
      %and3A = arith.constant 1 : i32
      %and3A_80 = arith.andi %scan3A_78, %and3A : i32
      %mul3A_81 = arith.constant 8 : i32
      %mul3A_82 = arith.muli %scan3A_78, %mul3A_81 : i32
      %add3A_83 = arith.addi %add3A_4, %mul3A_82 : i32
      %and3A_84 = arith.constant 1 : i32
      %and3A_85 = arith.andi %scan3A_78, %and3A_84 : i32
      %mul3A_86 = arith.constant 8 : i32
      %mul3A_87 = arith.muli %scan3A_78, %mul3A_86 : i32
      %add3A_88 = arith.addi %add3A_4, %mul3A_87 : i32
      %add3A_89 = arith.constant 8 : i32
      %add3A_90 = arith.addi %add3A_88, %add3A_89 : i32
      %min3A_91 = arith.constant 7812 : i32
      %min3A_92 = arith.minsi %add3A_9, %min3A_91 : i32
      %le3A_93 = arith.cmpi sle, %add3A_90, %min3A_92 : i32
      %convert_element_type3A_94 = arith.extui %le3A_93 : i1 to i32
      %cond3A_95 = arith.constant 0 : i32
      %cond3A_96 = arith.cmpi ne, %convert_element_type3A_94, %cond3A_95 : i32
      scf.if %cond3A_96 {
        %dma_wait3A = arith.constant 0 : i32
        %dma_wait3A_157 = arith.constant 0 : i32
        %dma_wait3A_158 = tpu.memref_slice %arg10[%and3A_85, %dma_wait3A, %dma_wait3A_157] : memref<2x32x1024xf32, #tpu.memory_space<vmem>> -> memref<1x32x1024xf32, #tpu.memory_space<vmem>>
        %dma_wait3A_159 = tpu.memref_squeeze %dma_wait3A_158 : memref<1x32x1024xf32, #tpu.memory_space<vmem>> -> memref<32x1024xf32, #tpu.memory_space<vmem>>
        %dma_wait3A_160 = arith.constant 0 : i32
        %dma_wait3A_161 = arith.constant 0 : i32
        %dma_wait3A_162 = tpu.memref_slice %arg4[%dma_wait3A_160, %dma_wait3A_161] : memref<32x1000000xf32, #tpu.memory_space<hbm>> -> memref<32x1024xf32, #tpu.memory_space<hbm>>
        %dma_wait3A_163 = arith.constant 0 : i32
        %dma_wait3A_164 = arith.constant 0 : i32
        %dma_wait3A_165 = tpu.memref_slice %arg10[%and3A_85, %dma_wait3A_163, %dma_wait3A_164] : memref<2x32x1024xf32, #tpu.memory_space<vmem>> -> memref<1x32x1024xf32, #tpu.memory_space<vmem>>
        %dma_wait3A_166 = tpu.memref_squeeze %dma_wait3A_165 : memref<1x32x1024xf32, #tpu.memory_space<vmem>> -> memref<32x1024xf32, #tpu.memory_space<vmem>>
        %dma_wait3A_167 = arith.constant 0 : i32
        %dma_wait3A_168 = arith.constant 0 : i32
        %dma_wait3A_169 = tpu.memref_slice %arg4[%dma_wait3A_167, %dma_wait3A_168] : memref<32x1000000xf32, #tpu.memory_space<hbm>> -> memref<32x1024xf32, #tpu.memory_space<hbm>>
        tpu.wait_dma2 semaphore(%arg12 : memref<!tpu.dma_semaphore, #tpu.memory_space<semaphore_mem>>) src(%dma_wait3A_169 : memref<32x1024xf32, #tpu.memory_space<hbm>>) dst(%dma_wait3A_166 : memref<32x1024xf32, #tpu.memory_space<vmem>>)
      } else {
      }
      %add3A_97 = arith.constant 8 : i32
      %add3A_98 = arith.addi %add3A_88, %add3A_97 : i32
      %min3A_99 = arith.constant 7812 : i32
      %min3A_100 = arith.minsi %add3A_9, %min3A_99 : i32
      %gt3A_101 = arith.cmpi sgt, %add3A_98, %min3A_100 : i32
      %convert_element_type3A_102 = arith.extui %gt3A_101 : i1 to i32
      %cond3A_103 = arith.constant 0 : i32
      %cond3A_104 = arith.cmpi ne, %convert_element_type3A_102, %cond3A_103 : i32
      scf.if %cond3A_104 {
        %min3A_157 = arith.constant 7812 : i32
        %min3A_158 = arith.minsi %add3A_9, %min3A_157 : i32
        %sub3A_159 = arith.subi %min3A_158, %add3A_88 : i32
        %jit3A_160 = arith.constant 0 : i32
        %jit3A_161 = arith.constant 8 : i32
        %max3A = arith.maxsi %jit3A_160, %sub3A_159 : i32
        %min3A_162 = arith.minsi %jit3A_161, %max3A : i32
        %le3A_163 = arith.constant 7812 : i32
        %le3A_164 = arith.cmpi sle, %add3A_88, %le3A_163 : i32
        %add3A_165 = arith.constant 8 : i32
        %add3A_166 = arith.addi %add3A_88, %add3A_165 : i32
        %gt3A_167 = arith.constant 7812 : i32
        %gt3A_168 = arith.cmpi sgt, %add3A_166, %gt3A_167 : i32
        %and3A_169 = arith.andi %le3A_164, %gt3A_168 : i1
        %gt3A_170 = arith.constant 7812 : i32
        %gt3A_171 = arith.cmpi sgt, %add3A_9, %gt3A_170 : i32
        %and3A_172 = arith.andi %and3A_169, %gt3A_171 : i1
        %jit3A_173 = arith.constant 1 : i32
        %jit3A_174 = arith.constant 0 : i32
        %select_n3A_175 = arith.select %and3A_172, %jit3A_173, %jit3A_174 : i32
        %add3A_176 = arith.addi %min3A_162, %select_n3A_175 : i32
        %while3A_177 = arith.constant 0 : i32
        %while3A_178 = arith.constant 0 : i32
        %while3A_179 = arith.subi %add3A_176, %while3A_178 : i32
        %while3A_180 = arith.addi %while3A_178, %while3A_179 : i32
        %while3A_181 = arith.constant 1 : i32
        %while3A_182 = arith.divsi %while3A_179, %while3A_181 : i32
        %while3A_183 = arith.muli %while3A_182, %while3A_181 : i32
        %while3A_184 = arith.addi %while3A_178, %while3A_183 : i32
        %while3A_185 = arith.constant 1 : i32
        scf.for %while3A_187 = %while3A_178 to %while3A_184 step %while3A_185  : i32 {
          %dma_wait3A = arith.constant 0 : i32
          %dma_wait3A_188 = arith.constant 0 : i32
          %dma_wait3A_189 = tpu.memref_slice %arg10[%and3A_85, %dma_wait3A, %dma_wait3A_188] : memref<2x32x1024xf32, #tpu.memory_space<vmem>> -> memref<1x32x128xf32, #tpu.memory_space<vmem>>
          %dma_wait3A_190 = tpu.memref_squeeze %dma_wait3A_189 : memref<1x32x128xf32, #tpu.memory_space<vmem>> -> memref<32x128xf32, #tpu.memory_space<vmem>>
          %dma_wait3A_191 = arith.constant 0 : i32
          %dma_wait3A_192 = arith.constant 0 : i32
          %dma_wait3A_193 = tpu.memref_slice %arg4[%dma_wait3A_191, %dma_wait3A_192] : memref<32x1000000xf32, #tpu.memory_space<hbm>> -> memref<32x128xf32, #tpu.memory_space<hbm>>
          %dma_wait3A_194 = arith.constant 0 : i32
          %dma_wait3A_195 = arith.constant 0 : i32
          %dma_wait3A_196 = tpu.memref_slice %arg10[%and3A_85, %dma_wait3A_194, %dma_wait3A_195] : memref<2x32x1024xf32, #tpu.memory_space<vmem>> -> memref<1x32x128xf32, #tpu.memory_space<vmem>>
          %dma_wait3A_197 = tpu.memref_squeeze %dma_wait3A_196 : memref<1x32x128xf32, #tpu.memory_space<vmem>> -> memref<32x128xf32, #tpu.memory_space<vmem>>
          %dma_wait3A_198 = arith.constant 0 : i32
          %dma_wait3A_199 = arith.constant 0 : i32
          %dma_wait3A_200 = tpu.memref_slice %arg4[%dma_wait3A_198, %dma_wait3A_199] : memref<32x1000000xf32, #tpu.memory_space<hbm>> -> memref<32x128xf32, #tpu.memory_space<hbm>>
          tpu.wait_dma2 semaphore(%arg12 : memref<!tpu.dma_semaphore, #tpu.memory_space<semaphore_mem>>) src(%dma_wait3A_200 : memref<32x128xf32, #tpu.memory_space<hbm>>) dst(%dma_wait3A_197 : memref<32x128xf32, #tpu.memory_space<vmem>>)
        }
        %while3A_186 = arith.constant 1 : i32
        scf.for %while3A_187 = %while3A_184 to %while3A_180 step %while3A_186  : i32 {
          %dma_wait3A = arith.constant 0 : i32
          %dma_wait3A_188 = arith.constant 0 : i32
          %dma_wait3A_189 = tpu.memref_slice %arg10[%and3A_85, %dma_wait3A, %dma_wait3A_188] : memref<2x32x1024xf32, #tpu.memory_space<vmem>> -> memref<1x32x128xf32, #tpu.memory_space<vmem>>
          %dma_wait3A_190 = tpu.memref_squeeze %dma_wait3A_189 : memref<1x32x128xf32, #tpu.memory_space<vmem>> -> memref<32x128xf32, #tpu.memory_space<vmem>>
          %dma_wait3A_191 = arith.constant 0 : i32
          %dma_wait3A_192 = arith.constant 0 : i32
          %dma_wait3A_193 = tpu.memref_slice %arg4[%dma_wait3A_191, %dma_wait3A_192] : memref<32x1000000xf32, #tpu.memory_space<hbm>> -> memref<32x128xf32, #tpu.memory_space<hbm>>
          %dma_wait3A_194 = arith.constant 0 : i32
          %dma_wait3A_195 = arith.constant 0 : i32
          %dma_wait3A_196 = tpu.memref_slice %arg10[%and3A_85, %dma_wait3A_194, %dma_wait3A_195] : memref<2x32x1024xf32, #tpu.memory_space<vmem>> -> memref<1x32x128xf32, #tpu.memory_space<vmem>>
          %dma_wait3A_197 = tpu.memref_squeeze %dma_wait3A_196 : memref<1x32x128xf32, #tpu.memory_space<vmem>> -> memref<32x128xf32, #tpu.memory_space<vmem>>
          %dma_wait3A_198 = arith.constant 0 : i32
          %dma_wait3A_199 = arith.constant 0 : i32
          %dma_wait3A_200 = tpu.memref_slice %arg4[%dma_wait3A_198, %dma_wait3A_199] : memref<32x1000000xf32, #tpu.memory_space<hbm>> -> memref<32x128xf32, #tpu.memory_space<hbm>>
          tpu.wait_dma2 semaphore(%arg12 : memref<!tpu.dma_semaphore, #tpu.memory_space<semaphore_mem>>) src(%dma_wait3A_200 : memref<32x128xf32, #tpu.memory_space<hbm>>) dst(%dma_wait3A_197 : memref<32x128xf32, #tpu.memory_space<vmem>>)
        }
      } else {
      }
      %sub3A = arith.subi %add3A_83, %add3A_4 : i32
      %mul3A_105 = arith.constant 128 : i32
      %mul3A_106 = arith.muli %sub3A, %mul3A_105 : i32
      %shift_left3A = arith.constant 16 : i32
      %shift_left3A_107 = arith.shli %mul3A_106, %shift_left3A : i32
      %add3A_108 = arith.constant 8 : i32
      %add3A_109 = arith.addi %add3A_83, %add3A_108 : i32
      %min3A_110 = arith.minsi %add3A_109, %add3A_9 : i32
      %sub3A_111 = arith.subi %min3A_110, %add3A_4 : i32
      %mul3A_112 = arith.constant 128 : i32
      %mul3A_113 = arith.muli %sub3A_111, %mul3A_112 : i32
      %shift_left3A_114 = arith.constant 16 : i32
      %shift_left3A_115 = arith.shli %mul3A_113, %shift_left3A_114 : i32
      %add3A_116 = arith.constant 16 : i32
      %add3A_117 = arith.addi %scan3A_24, %add3A_116 : i32
      %sub3A_118 = arith.constant 1 : i32
      %sub3A_119 = arith.subi %add3A_117, %sub3A_118 : i32
      %shift_right_arithmetic3A = arith.constant 4 : i32
      %shift_right_arithmetic3A_120 = arith.shrsi %sub3A_119, %shift_right_arithmetic3A : i32
      %while3A_121 = arith.constant 0 : i32
      %while3A_122 = arith.constant 0 : i32
      %while3A_123 = arith.subi %shift_right_arithmetic3A_120, %while3A_121 : i32
      %while3A_124 = arith.addi %while3A_121, %while3A_123 : i32
      %while3A_125 = arith.constant 1 : i32
      %while3A_126 = arith.divsi %while3A_123, %while3A_125 : i32
      %while3A_127 = arith.muli %while3A_126, %while3A_125 : i32
      %while3A_128 = arith.addi %while3A_121, %while3A_127 : i32
      %while3A_129 = arith.constant 1 : i32
      %while3A_130 = scf.for %while3A_157 = %while3A_121 to %while3A_128 step %while3A_129 iter_args(%while3A_158 = %while3A_122) -> (i32)  : i32 {
        %mul3A_159 = arith.constant 16 : i32
        %mul3A_160 = arith.muli %while3A_157, %mul3A_159 : i32
        %get3A = arith.index_cast %mul3A_160 : i32 to index
        %get3A_161 = tpu.vector_load %arg8[%get3A] {strides = array<i32>} : memref<2080xi32, #tpu.memory_space<vmem>>, vector<16xi32>,
        %ge3A = vector.broadcast %shift_left3A_107 : i32 to vector<16xi32>
        %ge3A_162 = arith.cmpi sge, %get3A_161, %ge3A : vector<16xi32>
        %lt3A_163 = vector.broadcast %shift_left3A_115 : i32 to vector<16xi32>
        %lt3A_164 = arith.cmpi slt, %get3A_161, %lt3A_163 : vector<16xi32>
        %and3A_165 = arith.andi %ge3A_162, %lt3A_164 : vector<16xi1>
        %all_reduce_population_count3A = tpu.all_reduce %and3A_165 {dim = 0 : i64, kind = #tpu.reduction_kind<sum>} : vector<16xi1> -> vector<16xi32>
        %slice3A = vector.extract_strided_slice %all_reduce_population_count3A {offsets = [0], sizes = [1], strides = [1]} : vector<16xi32> to vector<1xi32>
        %squeeze3A = vector.extract %slice3A[0] : i32 from vector<1xi32>
        %swap3A_166 = arith.index_cast %while3A_158 : i32 to index
        %swap3A_167 = tpu.vector_load %arg9[%swap3A_166] masked %and3A_165 {strides = array<i32>} : memref<176xi32, #tpu.memory_space<vmem>>, vector<16xi32>, vector<16xi1>
        tpu.vector_store %arg9[%swap3A_166], %get3A_161 masked %and3A_165 {strides = array<i32>} : memref<176xi32, #tpu.memory_space<vmem>>, vector<16xi32>, vector<16xi1>
        %add3A_168 = arith.addi %while3A_158, %squeeze3A : i32
        scf.yield %add3A_168 : i32
      }
      %while3A_131 = arith.constant 1 : i32
      %while3A_132 = scf.for %while3A_157 = %while3A_128 to %while3A_124 step %while3A_131 iter_args(%while3A_158 = %while3A_130) -> (i32)  : i32 {
        %mul3A_159 = arith.constant 16 : i32
        %mul3A_160 = arith.muli %while3A_157, %mul3A_159 : i32
        %get3A = arith.index_cast %mul3A_160 : i32 to index
        %get3A_161 = tpu.vector_load %arg8[%get3A] {strides = array<i32>} : memref<2080xi32, #tpu.memory_space<vmem>>, vector<16xi32>,
        %ge3A = vector.broadcast %shift_left3A_107 : i32 to vector<16xi32>
        %ge3A_162 = arith.cmpi sge, %get3A_161, %ge3A : vector<16xi32>
        %lt3A_163 = vector.broadcast %shift_left3A_115 : i32 to vector<16xi32>
        %lt3A_164 = arith.cmpi slt, %get3A_161, %lt3A_163 : vector<16xi32>
        %and3A_165 = arith.andi %ge3A_162, %lt3A_164 : vector<16xi1>
        %all_reduce_population_count3A = tpu.all_reduce %and3A_165 {dim = 0 : i64, kind = #tpu.reduction_kind<sum>} : vector<16xi1> -> vector<16xi32>
        %slice3A = vector.extract_strided_slice %all_reduce_population_count3A {offsets = [0], sizes = [1], strides = [1]} : vector<16xi32> to vector<1xi32>
        %squeeze3A = vector.extract %slice3A[0] : i32 from vector<1xi32>
        %swap3A_166 = arith.index_cast %while3A_158 : i32 to index
        %swap3A_167 = tpu.vector_load %arg9[%swap3A_166] masked %and3A_165 {strides = array<i32>} : memref<176xi32, #tpu.memory_space<vmem>>, vector<16xi32>, vector<16xi1>
        tpu.vector_store %arg9[%swap3A_166], %get3A_161 masked %and3A_165 {strides = array<i32>} : memref<176xi32, #tpu.memory_space<vmem>>, vector<16xi32>, vector<16xi1>
        %add3A_168 = arith.addi %while3A_158, %squeeze3A : i32
        scf.yield %add3A_168 : i32
      }
      %broadcast_in_dim3A_133 = vector.broadcast %and3A_80 : i32 to vector<16xi32>
      %add3A_134 = arith.constant 16 : i32
      %add3A_135 = vector.broadcast %add3A_134 : i32 to vector<16xi32>
      %add3A_136 = arith.addi %iota3A, %add3A_135 : vector<16xi32>
      %mul3A_137 = arith.constant 128 : i32
      %mul3A_138 = arith.muli %add3A_83, %mul3A_137 : i32
      %while3A_139 = arith.constant 0 : i32
      %while3A_140 = arith.subi %while3A_132, %while3A_139 : i32
      %while3A_141 = arith.addi %while3A_139, %while3A_140 : i32
      %while3A_142 = arith.constant 1 : i32
      %while3A_143 = arith.divsi %while3A_140, %while3A_142 : i32
      %while3A_144 = arith.muli %while3A_143, %while3A_142 : i32
      %while3A_145 = arith.addi %while3A_139, %while3A_144 : i32
      %while3A_146 = arith.constant 1 : i32
      %while3A_147 = scf.for %while3A_157 = %while3A_139 to %while3A_145 step %while3A_146 iter_args(%while3A_158 = %scan3A_79) -> (i32)  : i32 {
        %get3A = arith.index_cast %while3A_157 : i32 to index
        %get3A_159 = tpu.vector_load %arg9[%get3A] {strides = array<i32>} : memref<176xi32, #tpu.memory_space<vmem>>, vector<16xi32>,
        %slice3A = vector.extract_strided_slice %get3A_159 {offsets = [0], sizes = [1], strides = [1]} : vector<16xi32> to vector<1xi32>
        %squeeze3A = vector.extract %slice3A[0] : i32 from vector<1xi32>
        %shift_right_arithmetic3A_160 = arith.constant 16 : i32
        %shift_right_arithmetic3A_161 = arith.shrsi %squeeze3A, %shift_right_arithmetic3A_160 : i32
        %and3A_162 = arith.constant 65535 : i32
        %and3A_163 = arith.andi %squeeze3A, %and3A_162 : i32
        %add3A_164 = arith.addi %shift_right_arithmetic3A_161, %mul3A_11 : i32
        %sub3A_165 = arith.subi %add3A_164, %mul3A_138 : i32
        %broadcast_in_dim3A_166 = vector.broadcast %sub3A_165 : i32 to vector<16xi32>
        %gather3A = tpu.vector_load_idx %arg10[%broadcast_in_dim3A_133, %iota3A, %broadcast_in_dim3A_166] : memref<2x32x1024xf32, #tpu.memory_space<vmem>>[vector<16xi32>, vector<16xi32>, vector<16xi32>], vector<16xf32>,
        %gather3A_167 = tpu.vector_load_idx %arg10[%broadcast_in_dim3A_133, %add3A_136, %broadcast_in_dim3A_166] : memref<2x32x1024xf32, #tpu.memory_space<vmem>>[vector<16xi32>, vector<16xi32>, vector<16xi32>], vector<16xf32>,
        %and3A_168 = arith.constant 255 : i32
        %and3A_169 = arith.andi %while3A_158, %and3A_168 : i32
        %ge3A = arith.constant 256 : i32
        %ge3A_170 = arith.cmpi sge, %while3A_158, %ge3A : i32
        %convert_element_type3A_171 = arith.extui %ge3A_170 : i1 to i32
        %cond3A_172 = arith.constant 0 : i32
        %cond3A_173 = arith.cmpi ne, %convert_element_type3A_171, %cond3A_172 : i32
        scf.if %cond3A_173 {
          %dma_wait3A = arith.constant 0 : i32
          %dma_wait3A_191 = arith.constant 0 : i32
          %dma_wait3A_192 = tpu.memref_slice %arg11[%and3A_169, %dma_wait3A_191] : memref<256x32xf32, #tpu.memory_space<vmem>> -> memref<1x32xf32, #tpu.memory_space<vmem>>
          %dma_wait3A_193 = tpu.memref_squeeze %dma_wait3A_192 : memref<1x32xf32, #tpu.memory_space<vmem>> -> memref<32xf32, #tpu.memory_space<vmem>>
          %dma_wait3A_194 = arith.constant 0 : i32
          %dma_wait3A_195 = tpu.memref_slice %arg5[%dma_wait3A, %dma_wait3A_194] : memref<32x128xf32, #tpu.memory_space<hbm>> -> memref<1x32xf32, #tpu.memory_space<hbm>>
          %dma_wait3A_196 = tpu.memref_squeeze %dma_wait3A_195 : memref<1x32xf32, #tpu.memory_space<hbm>> -> memref<32xf32, #tpu.memory_space<hbm>>
          %dma_wait3A_197 = arith.constant 0 : i32
          %dma_wait3A_198 = tpu.memref_slice %arg11[%and3A_169, %dma_wait3A_197] : memref<256x32xf32, #tpu.memory_space<vmem>> -> memref<1x32xf32, #tpu.memory_space<vmem>>
          %dma_wait3A_199 = tpu.memref_squeeze %dma_wait3A_198 : memref<1x32xf32, #tpu.memory_space<vmem>> -> memref<32xf32, #tpu.memory_space<vmem>>
          %dma_wait3A_200 = arith.constant 0 : i32
          %dma_wait3A_201 = tpu.memref_slice %arg5[%dma_wait3A, %dma_wait3A_200] : memref<32x128xf32, #tpu.memory_space<hbm>> -> memref<1x32xf32, #tpu.memory_space<hbm>>
          %dma_wait3A_202 = tpu.memref_squeeze %dma_wait3A_201 : memref<1x32xf32, #tpu.memory_space<hbm>> -> memref<32xf32, #tpu.memory_space<hbm>>
          tpu.wait_dma2 semaphore(%arg13 : memref<!tpu.dma_semaphore, #tpu.memory_space<semaphore_mem>>) src(%dma_wait3A_202 : memref<32xf32, #tpu.memory_space<hbm>>) dst(%dma_wait3A_199 : memref<32xf32, #tpu.memory_space<vmem>>)
        } else {
        }
        %swap3A_174 = arith.index_cast %and3A_169 : i32 to index
        %swap3A_175 = arith.constant 0 : index
        %swap3A_176 = tpu.vector_load %arg11[%swap3A_174, %swap3A_175] {strides = array<i32>} : memref<256x32xf32, #tpu.memory_space<vmem>>, vector<16xf32>,
        tpu.vector_store %arg11[%swap3A_174, %swap3A_175], %gather3A {strides = array<i32>} : memref<256x32xf32, #tpu.memory_space<vmem>>, vector<16xf32>,
        %swap3A_177 = arith.index_cast %and3A_169 : i32 to index
        %swap3A_178 = arith.constant 16 : index
        %swap3A_179 = tpu.vector_load %arg11[%swap3A_177, %swap3A_178] {strides = array<i32>} : memref<256x32xf32, #tpu.memory_space<vmem>>, vector<16xf32>,
        tpu.vector_store %arg11[%swap3A_177, %swap3A_178], %gather3A_167 {strides = array<i32>} : memref<256x32xf32, #tpu.memory_space<vmem>>, vector<16xf32>,
        %mul3A_180 = arith.constant 32 : i32
        %mul3A_181 = arith.muli %and3A_163, %mul3A_180 : i32
        %dma_start3A = arith.constant 0 : i32
        %dma_start3A_182 = tpu.memref_slice %arg11[%and3A_169, %dma_start3A] : memref<256x32xf32, #tpu.memory_space<vmem>> -> memref<1x32xf32, #tpu.memory_space<vmem>>
        %dma_start3A_183 = tpu.memref_squeeze %dma_start3A_182 : memref<1x32xf32, #tpu.memory_space<vmem>> -> memref<32xf32, #tpu.memory_space<vmem>>
        %dma_start3A_184 = tpu.memref_slice %arg6[%mul3A_181] : memref<1048576xf32, #tpu.memory_space<hbm>> -> memref<32xf32, #tpu.memory_space<hbm>>
        %dma_start3A_185 = tpu.memref_slice %arg6[%mul3A_181] : memref<1048576xf32, #tpu.memory_space<hbm>> -> memref<32xf32, #tpu.memory_space<hbm>>
        %dma_start3A_186 = arith.constant 0 : i32
        %dma_start3A_187 = tpu.memref_slice %arg11[%and3A_169, %dma_start3A_186] : memref<256x32xf32, #tpu.memory_space<vmem>> -> memref<1x32xf32, #tpu.memory_space<vmem>>
        %dma_start3A_188 = tpu.memref_squeeze %dma_start3A_187 : memref<1x32xf32, #tpu.memory_space<vmem>> -> memref<32xf32, #tpu.memory_space<vmem>>
        tpu.enqueue_dma source(%dma_start3A_188 : memref<32xf32, #tpu.memory_space<vmem>>) target(%dma_start3A_185 : memref<32xf32, #tpu.memory_space<hbm>>) target_semaphore(%arg13 : memref<!tpu.dma_semaphore, #tpu.memory_space<semaphore_mem>>)
        %add3A_189 = arith.constant 1 : i32
        %add3A_190 = arith.addi %while3A_158, %add3A_189 : i32
        scf.yield %add3A_190 : i32
      }
      %while3A_148 = arith.constant 1 : i32
      %while3A_149 = scf.for %while3A_157 = %while3A_145 to %while3A_141 step %while3A_148 iter_args(%while3A_158 = %while3A_147) -> (i32)  : i32 {
        %get3A = arith.index_cast %while3A_157 : i32 to index
        %get3A_159 = tpu.vector_load %arg9[%get3A] {strides = array<i32>} : memref<176xi32, #tpu.memory_space<vmem>>, vector<16xi32>,
        %slice3A = vector.extract_strided_slice %get3A_159 {offsets = [0], sizes = [1], strides = [1]} : vector<16xi32> to vector<1xi32>
        %squeeze3A = vector.extract %slice3A[0] : i32 from vector<1xi32>
        %shift_right_arithmetic3A_160 = arith.constant 16 : i32
        %shift_right_arithmetic3A_161 = arith.shrsi %squeeze3A, %shift_right_arithmetic3A_160 : i32
        %and3A_162 = arith.constant 65535 : i32
        %and3A_163 = arith.andi %squeeze3A, %and3A_162 : i32
        %add3A_164 = arith.addi %shift_right_arithmetic3A_161, %mul3A_11 : i32
        %sub3A_165 = arith.subi %add3A_164, %mul3A_138 : i32
        %broadcast_in_dim3A_166 = vector.broadcast %sub3A_165 : i32 to vector<16xi32>
        %gather3A = tpu.vector_load_idx %arg10[%broadcast_in_dim3A_133, %iota3A, %broadcast_in_dim3A_166] : memref<2x32x1024xf32, #tpu.memory_space<vmem>>[vector<16xi32>, vector<16xi32>, vector<16xi32>], vector<16xf32>,
        %gather3A_167 = tpu.vector_load_idx %arg10[%broadcast_in_dim3A_133, %add3A_136, %broadcast_in_dim3A_166] : memref<2x32x1024xf32, #tpu.memory_space<vmem>>[vector<16xi32>, vector<16xi32>, vector<16xi32>], vector<16xf32>,
        %and3A_168 = arith.constant 255 : i32
        %and3A_169 = arith.andi %while3A_158, %and3A_168 : i32
        %ge3A = arith.constant 256 : i32
        %ge3A_170 = arith.cmpi sge, %while3A_158, %ge3A : i32
        %convert_element_type3A_171 = arith.extui %ge3A_170 : i1 to i32
        %cond3A_172 = arith.constant 0 : i32
        %cond3A_173 = arith.cmpi ne, %convert_element_type3A_171, %cond3A_172 : i32
        scf.if %cond3A_173 {
          %dma_wait3A = arith.constant 0 : i32
          %dma_wait3A_191 = arith.constant 0 : i32
          %dma_wait3A_192 = tpu.memref_slice %arg11[%and3A_169, %dma_wait3A_191] : memref<256x32xf32, #tpu.memory_space<vmem>> -> memref<1x32xf32, #tpu.memory_space<vmem>>
          %dma_wait3A_193 = tpu.memref_squeeze %dma_wait3A_192 : memref<1x32xf32, #tpu.memory_space<vmem>> -> memref<32xf32, #tpu.memory_space<vmem>>
          %dma_wait3A_194 = arith.constant 0 : i32
          %dma_wait3A_195 = tpu.memref_slice %arg5[%dma_wait3A, %dma_wait3A_194] : memref<32x128xf32, #tpu.memory_space<hbm>> -> memref<1x32xf32, #tpu.memory_space<hbm>>
          %dma_wait3A_196 = tpu.memref_squeeze %dma_wait3A_195 : memref<1x32xf32, #tpu.memory_space<hbm>> -> memref<32xf32, #tpu.memory_space<hbm>>
          %dma_wait3A_197 = arith.constant 0 : i32
          %dma_wait3A_198 = tpu.memref_slice %arg11[%and3A_169, %dma_wait3A_197] : memref<256x32xf32, #tpu.memory_space<vmem>> -> memref<1x32xf32, #tpu.memory_space<vmem>>
          %dma_wait3A_199 = tpu.memref_squeeze %dma_wait3A_198 : memref<1x32xf32, #tpu.memory_space<vmem>> -> memref<32xf32, #tpu.memory_space<vmem>>
          %dma_wait3A_200 = arith.constant 0 : i32
          %dma_wait3A_201 = tpu.memref_slice %arg5[%dma_wait3A, %dma_wait3A_200] : memref<32x128xf32, #tpu.memory_space<hbm>> -> memref<1x32xf32, #tpu.memory_space<hbm>>
          %dma_wait3A_202 = tpu.memref_squeeze %dma_wait3A_201 : memref<1x32xf32, #tpu.memory_space<hbm>> -> memref<32xf32, #tpu.memory_space<hbm>>
          tpu.wait_dma2 semaphore(%arg13 : memref<!tpu.dma_semaphore, #tpu.memory_space<semaphore_mem>>) src(%dma_wait3A_202 : memref<32xf32, #tpu.memory_space<hbm>>) dst(%dma_wait3A_199 : memref<32xf32, #tpu.memory_space<vmem>>)
        } else {
        }
        %swap3A_174 = arith.index_cast %and3A_169 : i32 to index
        %swap3A_175 = arith.constant 0 : index
        %swap3A_176 = tpu.vector_load %arg11[%swap3A_174, %swap3A_175] {strides = array<i32>} : memref<256x32xf32, #tpu.memory_space<vmem>>, vector<16xf32>,
        tpu.vector_store %arg11[%swap3A_174, %swap3A_175], %gather3A {strides = array<i32>} : memref<256x32xf32, #tpu.memory_space<vmem>>, vector<16xf32>,
        %swap3A_177 = arith.index_cast %and3A_169 : i32 to index
        %swap3A_178 = arith.constant 16 : index
        %swap3A_179 = tpu.vector_load %arg11[%swap3A_177, %swap3A_178] {strides = array<i32>} : memref<256x32xf32, #tpu.memory_space<vmem>>, vector<16xf32>,
        tpu.vector_store %arg11[%swap3A_177, %swap3A_178], %gather3A_167 {strides = array<i32>} : memref<256x32xf32, #tpu.memory_space<vmem>>, vector<16xf32>,
        %mul3A_180 = arith.constant 32 : i32
        %mul3A_181 = arith.muli %and3A_163, %mul3A_180 : i32
        %dma_start3A = arith.constant 0 : i32
        %dma_start3A_182 = tpu.memref_slice %arg11[%and3A_169, %dma_start3A] : memref<256x32xf32, #tpu.memory_space<vmem>> -> memref<1x32xf32, #tpu.memory_space<vmem>>
        %dma_start3A_183 = tpu.memref_squeeze %dma_start3A_182 : memref<1x32xf32, #tpu.memory_space<vmem>> -> memref<32xf32, #tpu.memory_space<vmem>>
        %dma_start3A_184 = tpu.memref_slice %arg6[%mul3A_181] : memref<1048576xf32, #tpu.memory_space<hbm>> -> memref<32xf32, #tpu.memory_space<hbm>>
        %dma_start3A_185 = tpu.memref_slice %arg6[%mul3A_181] : memref<1048576xf32, #tpu.memory_space<hbm>> -> memref<32xf32, #tpu.memory_space<hbm>>
        %dma_start3A_186 = arith.constant 0 : i32
        %dma_start3A_187 = tpu.memref_slice %arg11[%and3A_169, %dma_start3A_186] : memref<256x32xf32, #tpu.memory_space<vmem>> -> memref<1x32xf32, #tpu.memory_space<vmem>>
        %dma_start3A_188 = tpu.memref_squeeze %dma_start3A_187 : memref<1x32xf32, #tpu.memory_space<vmem>> -> memref<32xf32, #tpu.memory_space<vmem>>
        tpu.enqueue_dma source(%dma_start3A_188 : memref<32xf32, #tpu.memory_space<vmem>>) target(%dma_start3A_185 : memref<32xf32, #tpu.memory_space<hbm>>) target_semaphore(%arg13 : memref<!tpu.dma_semaphore, #tpu.memory_space<semaphore_mem>>)
        %add3A_189 = arith.constant 1 : i32
        %add3A_190 = arith.addi %while3A_158, %add3A_189 : i32
        scf.yield %add3A_190 : i32
      }
      %add3A_150 = arith.constant 2 : i32
      %add3A_151 = arith.addi %scan3A_78, %add3A_150 : i32
      %lt3A_152 = arith.constant 31 : i32
      %lt3A_153 = arith.cmpi slt, %add3A_151, %lt3A_152 : i32
      %convert_element_type3A_154 = arith.extui %lt3A_153 : i1 to i32
      %cond3A_155 = arith.constant 0 : i32
      %cond3A_156 = arith.cmpi ne, %convert_element_type3A_154, %cond3A_155 : i32
      scf.if %cond3A_156 {
        %add3A_157 = arith.constant 2 : i32
        %add3A_158 = arith.addi %scan3A_78, %add3A_157 : i32
        %and3A_159 = arith.constant 1 : i32
        %and3A_160 = arith.andi %add3A_158, %and3A_159 : i32
        %mul3A_161 = arith.constant 8 : i32
        %mul3A_162 = arith.muli %add3A_158, %mul3A_161 : i32
        %add3A_163 = arith.addi %add3A_4, %mul3A_162 : i32
        %add3A_164 = arith.constant 8 : i32
        %add3A_165 = arith.addi %add3A_163, %add3A_164 : i32
        %min3A_166 = arith.constant 7812 : i32
        %min3A_167 = arith.minsi %add3A_9, %min3A_166 : i32
        %le3A_168 = arith.cmpi sle, %add3A_165, %min3A_167 : i32
        %convert_element_type3A_169 = arith.extui %le3A_168 : i1 to i32
        %cond3A_170 = arith.constant 0 : i32
        %cond3A_171 = arith.cmpi ne, %convert_element_type3A_169, %cond3A_170 : i32
        scf.if %cond3A_171 {
          %mul3A_180 = arith.constant 128 : i32
          %mul3A_181 = arith.muli %add3A_163, %mul3A_180 : i32
          %multiple_of3A = tpu.assume_multiple %mul3A_181, 128 : i32
          %dma_start3A = arith.constant 0 : i32
          %dma_start3A_182 = arith.constant 0 : i32
          %dma_start3A_183 = tpu.memref_slice %arg10[%and3A_160, %dma_start3A, %dma_start3A_182] : memref<2x32x1024xf32, #tpu.memory_space<vmem>> -> memref<1x32x1024xf32, #tpu.memory_space<vmem>>
          %dma_start3A_184 = tpu.memref_squeeze %dma_start3A_183 : memref<1x32x1024xf32, #tpu.memory_space<vmem>> -> memref<32x1024xf32, #tpu.memory_space<vmem>>
          %dma_start3A_185 = arith.constant 0 : i32
          %dma_start3A_186 = tpu.memref_slice %arg4[%dma_start3A_185, %multiple_of3A] : memref<32x1000000xf32, #tpu.memory_space<hbm>> -> memref<32x1024xf32, #tpu.memory_space<hbm>>
          %dma_start3A_187 = arith.constant 0 : i32
          %dma_start3A_188 = arith.constant 0 : i32
          %dma_start3A_189 = tpu.memref_slice %arg10[%and3A_160, %dma_start3A_187, %dma_start3A_188] : memref<2x32x1024xf32, #tpu.memory_space<vmem>> -> memref<1x32x1024xf32, #tpu.memory_space<vmem>>
          %dma_start3A_190 = tpu.memref_squeeze %dma_start3A_189 : memref<1x32x1024xf32, #tpu.memory_space<vmem>> -> memref<32x1024xf32, #tpu.memory_space<vmem>>
          %dma_start3A_191 = arith.constant 0 : i32
          %dma_start3A_192 = tpu.memref_slice %arg4[%dma_start3A_191, %multiple_of3A] : memref<32x1000000xf32, #tpu.memory_space<hbm>> -> memref<32x1024xf32, #tpu.memory_space<hbm>>
          tpu.enqueue_dma source(%dma_start3A_192 : memref<32x1024xf32, #tpu.memory_space<hbm>>) target(%dma_start3A_190 : memref<32x1024xf32, #tpu.memory_space<vmem>>) target_semaphore(%arg12 : memref<!tpu.dma_semaphore, #tpu.memory_space<semaphore_mem>>)
        } else {
        }
        %add3A_172 = arith.constant 8 : i32
        %add3A_173 = arith.addi %add3A_163, %add3A_172 : i32
        %min3A_174 = arith.constant 7812 : i32
        %min3A_175 = arith.minsi %add3A_9, %min3A_174 : i32
        %gt3A_176 = arith.cmpi sgt, %add3A_173, %min3A_175 : i32
        %convert_element_type3A_177 = arith.extui %gt3A_176 : i1 to i32
        %cond3A_178 = arith.constant 0 : i32
        %cond3A_179 = arith.cmpi ne, %convert_element_type3A_177, %cond3A_178 : i32
        scf.if %cond3A_179 {
          %min3A_180 = arith.constant 7812 : i32
          %min3A_181 = arith.minsi %add3A_9, %min3A_180 : i32
          %sub3A_182 = arith.subi %min3A_181, %add3A_163 : i32
          %jit3A_183 = arith.constant 0 : i32
          %jit3A_184 = arith.constant 8 : i32
          %max3A = arith.maxsi %jit3A_183, %sub3A_182 : i32
          %min3A_185 = arith.minsi %jit3A_184, %max3A : i32
          %while3A_186 = arith.constant 0 : i32
          %while3A_187 = arith.constant 0 : i32
          %while3A_188 = arith.subi %min3A_185, %while3A_187 : i32
          %while3A_189 = arith.addi %while3A_187, %while3A_188 : i32
          %while3A_190 = arith.constant 1 : i32
          %while3A_191 = arith.divsi %while3A_188, %while3A_190 : i32
          %while3A_192 = arith.muli %while3A_191, %while3A_190 : i32
          %while3A_193 = arith.addi %while3A_187, %while3A_192 : i32
          %while3A_194 = arith.constant 1 : i32
          scf.for %while3A_209 = %while3A_187 to %while3A_193 step %while3A_194  : i32 {
            %add3A_210 = arith.addi %add3A_163, %while3A_209 : i32
            %mul3A_211 = arith.constant 128 : i32
            %mul3A_212 = arith.muli %add3A_210, %mul3A_211 : i32
            %multiple_of3A = tpu.assume_multiple %mul3A_212, 128 : i32
            %mul3A_213 = arith.constant 128 : i32
            %mul3A_214 = arith.muli %while3A_209, %mul3A_213 : i32
            %dma_start3A = arith.constant 0 : i32
            %dma_start3A_215 = tpu.memref_slice %arg10[%and3A_160, %dma_start3A, %mul3A_214] : memref<2x32x1024xf32, #tpu.memory_space<vmem>> -> memref<1x32x128xf32, #tpu.memory_space<vmem>>
            %dma_start3A_216 = tpu.memref_squeeze %dma_start3A_215 : memref<1x32x128xf32, #tpu.memory_space<vmem>> -> memref<32x128xf32, #tpu.memory_space<vmem>>
            %dma_start3A_217 = arith.constant 0 : i32
            %dma_start3A_218 = tpu.memref_slice %arg4[%dma_start3A_217, %multiple_of3A] : memref<32x1000000xf32, #tpu.memory_space<hbm>> -> memref<32x128xf32, #tpu.memory_space<hbm>>
            %dma_start3A_219 = arith.constant 0 : i32
            %dma_start3A_220 = tpu.memref_slice %arg10[%and3A_160, %dma_start3A_219, %mul3A_214] : memref<2x32x1024xf32, #tpu.memory_space<vmem>> -> memref<1x32x128xf32, #tpu.memory_space<vmem>>
            %dma_start3A_221 = tpu.memref_squeeze %dma_start3A_220 : memref<1x32x128xf32, #tpu.memory_space<vmem>> -> memref<32x128xf32, #tpu.memory_space<vmem>>
            %dma_start3A_222 = arith.constant 0 : i32
            %dma_start3A_223 = tpu.memref_slice %arg4[%dma_start3A_222, %multiple_of3A] : memref<32x1000000xf32, #tpu.memory_space<hbm>> -> memref<32x128xf32, #tpu.memory_space<hbm>>
            tpu.enqueue_dma source(%dma_start3A_223 : memref<32x128xf32, #tpu.memory_space<hbm>>) target(%dma_start3A_221 : memref<32x128xf32, #tpu.memory_space<vmem>>) target_semaphore(%arg12 : memref<!tpu.dma_semaphore, #tpu.memory_space<semaphore_mem>>)
          }
          %while3A_195 = arith.constant 1 : i32
          scf.for %while3A_209 = %while3A_193 to %while3A_189 step %while3A_195  : i32 {
            %add3A_210 = arith.addi %add3A_163, %while3A_209 : i32
            %mul3A_211 = arith.constant 128 : i32
            %mul3A_212 = arith.muli %add3A_210, %mul3A_211 : i32
            %multiple_of3A = tpu.assume_multiple %mul3A_212, 128 : i32
            %mul3A_213 = arith.constant 128 : i32
            %mul3A_214 = arith.muli %while3A_209, %mul3A_213 : i32
            %dma_start3A = arith.constant 0 : i32
            %dma_start3A_215 = tpu.memref_slice %arg10[%and3A_160, %dma_start3A, %mul3A_214] : memref<2x32x1024xf32, #tpu.memory_space<vmem>> -> memref<1x32x128xf32, #tpu.memory_space<vmem>>
            %dma_start3A_216 = tpu.memref_squeeze %dma_start3A_215 : memref<1x32x128xf32, #tpu.memory_space<vmem>> -> memref<32x128xf32, #tpu.memory_space<vmem>>
            %dma_start3A_217 = arith.constant 0 : i32
            %dma_start3A_218 = tpu.memref_slice %arg4[%dma_start3A_217, %multiple_of3A] : memref<32x1000000xf32, #tpu.memory_space<hbm>> -> memref<32x128xf32, #tpu.memory_space<hbm>>
            %dma_start3A_219 = arith.constant 0 : i32
            %dma_start3A_220 = tpu.memref_slice %arg10[%and3A_160, %dma_start3A_219, %mul3A_214] : memref<2x32x1024xf32, #tpu.memory_space<vmem>> -> memref<1x32x128xf32, #tpu.memory_space<vmem>>
            %dma_start3A_221 = tpu.memref_squeeze %dma_start3A_220 : memref<1x32x128xf32, #tpu.memory_space<vmem>> -> memref<32x128xf32, #tpu.memory_space<vmem>>
            %dma_start3A_222 = arith.constant 0 : i32
            %dma_start3A_223 = tpu.memref_slice %arg4[%dma_start3A_222, %multiple_of3A] : memref<32x1000000xf32, #tpu.memory_space<hbm>> -> memref<32x128xf32, #tpu.memory_space<hbm>>
            tpu.enqueue_dma source(%dma_start3A_223 : memref<32x128xf32, #tpu.memory_space<hbm>>) target(%dma_start3A_221 : memref<32x128xf32, #tpu.memory_space<vmem>>) target_semaphore(%arg12 : memref<!tpu.dma_semaphore, #tpu.memory_space<semaphore_mem>>)
          }
          %le3A_196 = arith.constant 7812 : i32
          %le3A_197 = arith.cmpi sle, %add3A_163, %le3A_196 : i32
          %add3A_198 = arith.constant 8 : i32
          %add3A_199 = arith.addi %add3A_163, %add3A_198 : i32
          %gt3A_200 = arith.constant 7812 : i32
          %gt3A_201 = arith.cmpi sgt, %add3A_199, %gt3A_200 : i32
          %and3A_202 = arith.andi %le3A_197, %gt3A_201 : i1
          %gt3A_203 = arith.constant 7812 : i32
          %gt3A_204 = arith.cmpi sgt, %add3A_9, %gt3A_203 : i32
          %and3A_205 = arith.andi %and3A_202, %gt3A_204 : i1
          %convert_element_type3A_206 = arith.extui %and3A_205 : i1 to i32
          %cond3A_207 = arith.constant 0 : i32
          %cond3A_208 = arith.cmpi ne, %convert_element_type3A_206, %cond3A_207 : i32
          scf.if %cond3A_208 {
            %sub3A_209 = arith.constant 7812 : i32
            %sub3A_210 = arith.subi %sub3A_209, %add3A_163 : i32
            %mul3A_211 = arith.constant 128 : i32
            %mul3A_212 = arith.muli %sub3A_210, %mul3A_211 : i32
            %dma_start3A = arith.constant 0 : i32
            %dma_start3A_213 = tpu.memref_slice %arg10[%and3A_160, %dma_start3A, %mul3A_212] : memref<2x32x1024xf32, #tpu.memory_space<vmem>> -> memref<1x32x128xf32, #tpu.memory_space<vmem>>
            %dma_start3A_214 = tpu.memref_squeeze %dma_start3A_213 : memref<1x32x128xf32, #tpu.memory_space<vmem>> -> memref<32x128xf32, #tpu.memory_space<vmem>>
            %dma_start3A_215 = arith.constant 0 : i32
            %dma_start3A_216 = tpu.memref_slice %arg10[%and3A_160, %dma_start3A_215, %mul3A_212] : memref<2x32x1024xf32, #tpu.memory_space<vmem>> -> memref<1x32x128xf32, #tpu.memory_space<vmem>>
            %dma_start3A_217 = tpu.memref_squeeze %dma_start3A_216 : memref<1x32x128xf32, #tpu.memory_space<vmem>> -> memref<32x128xf32, #tpu.memory_space<vmem>>
            tpu.enqueue_dma source(%arg5 : memref<32x128xf32, #tpu.memory_space<hbm>>) target(%dma_start3A_217 : memref<32x128xf32, #tpu.memory_space<vmem>>) target_semaphore(%arg12 : memref<!tpu.dma_semaphore, #tpu.memory_space<semaphore_mem>>)
          } else {
          }
        } else {
        }
      } else {
      }
      scf.yield %while3A_149 : i32
    }
    %scan3A_66 = arith.constant 31 : i32
    %min3A_67 = arith.constant 256 : i32
    %min3A_68 = arith.minsi %scan3A_65, %min3A_67 : i32
    %while3A = arith.constant 0 : i32
    %while3A_69 = arith.constant 0 : i32
    %while3A_70 = arith.subi %min3A_68, %while3A_69 : i32
    %while3A_71 = arith.addi %while3A_69, %while3A_70 : i32
    %while3A_72 = arith.constant 1 : i32
    %while3A_73 = arith.divsi %while3A_70, %while3A_72 : i32
    %while3A_74 = arith.muli %while3A_73, %while3A_72 : i32
    %while3A_75 = arith.addi %while3A_69, %while3A_74 : i32
    %while3A_76 = arith.constant 1 : i32
    scf.for %while3A_78 = %while3A_69 to %while3A_75 step %while3A_76  : i32 {
      %dma_wait3A = arith.constant 0 : i32
      %dma_wait3A_79 = arith.constant 0 : i32
      %dma_wait3A_80 = arith.constant 0 : i32
      %dma_wait3A_81 = tpu.memref_slice %arg11[%dma_wait3A_79, %dma_wait3A_80] : memref<256x32xf32, #tpu.memory_space<vmem>> -> memref<1x32xf32, #tpu.memory_space<vmem>>
      %dma_wait3A_82 = tpu.memref_squeeze %dma_wait3A_81 : memref<1x32xf32, #tpu.memory_space<vmem>> -> memref<32xf32, #tpu.memory_space<vmem>>
      %dma_wait3A_83 = arith.constant 0 : i32
      %dma_wait3A_84 = tpu.memref_slice %arg5[%dma_wait3A, %dma_wait3A_83] : memref<32x128xf32, #tpu.memory_space<hbm>> -> memref<1x32xf32, #tpu.memory_space<hbm>>
      %dma_wait3A_85 = tpu.memref_squeeze %dma_wait3A_84 : memref<1x32xf32, #tpu.memory_space<hbm>> -> memref<32xf32, #tpu.memory_space<hbm>>
      %dma_wait3A_86 = arith.constant 0 : i32
      %dma_wait3A_87 = tpu.memref_slice %arg11[%dma_wait3A_79, %dma_wait3A_86] : memref<256x32xf32, #tpu.memory_space<vmem>> -> memref<1x32xf32, #tpu.memory_space<vmem>>
      %dma_wait3A_88 = tpu.memref_squeeze %dma_wait3A_87 : memref<1x32xf32, #tpu.memory_space<vmem>> -> memref<32xf32, #tpu.memory_space<vmem>>
      %dma_wait3A_89 = arith.constant 0 : i32
      %dma_wait3A_90 = tpu.memref_slice %arg5[%dma_wait3A, %dma_wait3A_89] : memref<32x128xf32, #tpu.memory_space<hbm>> -> memref<1x32xf32, #tpu.memory_space<hbm>>
      %dma_wait3A_91 = tpu.memref_squeeze %dma_wait3A_90 : memref<1x32xf32, #tpu.memory_space<hbm>> -> memref<32xf32, #tpu.memory_space<hbm>>
      tpu.wait_dma2 semaphore(%arg13 : memref<!tpu.dma_semaphore, #tpu.memory_space<semaphore_mem>>) src(%dma_wait3A_91 : memref<32xf32, #tpu.memory_space<hbm>>) dst(%dma_wait3A_88 : memref<32xf32, #tpu.memory_space<vmem>>)
    }
    %while3A_77 = arith.constant 1 : i32
    scf.for %while3A_78 = %while3A_75 to %while3A_71 step %while3A_77  : i32 {
      %dma_wait3A = arith.constant 0 : i32
      %dma_wait3A_79 = arith.constant 0 : i32
      %dma_wait3A_80 = arith.constant 0 : i32
      %dma_wait3A_81 = tpu.memref_slice %arg11[%dma_wait3A_79, %dma_wait3A_80] : memref<256x32xf32, #tpu.memory_space<vmem>> -> memref<1x32xf32, #tpu.memory_space<vmem>>
      %dma_wait3A_82 = tpu.memref_squeeze %dma_wait3A_81 : memref<1x32xf32, #tpu.memory_space<vmem>> -> memref<32xf32, #tpu.memory_space<vmem>>
      %dma_wait3A_83 = arith.constant 0 : i32
      %dma_wait3A_84 = tpu.memref_slice %arg5[%dma_wait3A, %dma_wait3A_83] : memref<32x128xf32, #tpu.memory_space<hbm>> -> memref<1x32xf32, #tpu.memory_space<hbm>>
      %dma_wait3A_85 = tpu.memref_squeeze %dma_wait3A_84 : memref<1x32xf32, #tpu.memory_space<hbm>> -> memref<32xf32, #tpu.memory_space<hbm>>
      %dma_wait3A_86 = arith.constant 0 : i32
      %dma_wait3A_87 = tpu.memref_slice %arg11[%dma_wait3A_79, %dma_wait3A_86] : memref<256x32xf32, #tpu.memory_space<vmem>> -> memref<1x32xf32, #tpu.memory_space<vmem>>
      %dma_wait3A_88 = tpu.memref_squeeze %dma_wait3A_87 : memref<1x32xf32, #tpu.memory_space<vmem>> -> memref<32xf32, #tpu.memory_space<vmem>>
      %dma_wait3A_89 = arith.constant 0 : i32
      %dma_wait3A_90 = tpu.memref_slice %arg5[%dma_wait3A, %dma_wait3A_89] : memref<32x128xf32, #tpu.memory_space<hbm>> -> memref<1x32xf32, #tpu.memory_space<hbm>>
      %dma_wait3A_91 = tpu.memref_squeeze %dma_wait3A_90 : memref<1x32xf32, #tpu.memory_space<hbm>> -> memref<32xf32, #tpu.memory_space<hbm>>
      tpu.wait_dma2 semaphore(%arg13 : memref<!tpu.dma_semaphore, #tpu.memory_space<semaphore_mem>>) src(%dma_wait3A_91 : memref<32xf32, #tpu.memory_space<hbm>>) dst(%dma_wait3A_88 : memref<32xf32, #tpu.memory_space<vmem>>)
    }
    return
  }
}

module attributes {stable_mosaic.version = 14 : i64} {
  func.func @dot_kernel(%arg0: i32, %arg1: memref<1024x128xf32, #tpu.memory_space<vmem>>, %arg2: memref<1024x128xf32, #tpu.memory_space<vmem>>, %arg3: memref<1024x4xf32, #tpu.memory_space<vmem>>) attributes {dimension_semantics = [#tpu.dimension_semantics<arbitrary>], iteration_bounds = array<i64: 4>, scalar_prefetch = 0 : i64, scratch_operands = 0 : i64, tpu.core_type = #tpu.core_type<tc>, window_params = [{transform_indices = @transform_0, window_bounds = array<i64: 1024, 128>}, {transform_indices = @transform_1, window_bounds = array<i64: 1024, 128>}, {transform_indices = @transform_2, window_bounds = array<i64: 1024, 4>}]} {
    %get3A = arith.constant 0 : index
    %get3A_0 = arith.constant 0 : index
    %get3A_1 = vector.load %arg1[%get3A, %get3A_0] : memref<1024x128xf32, #tpu.memory_space<vmem>>, vector<1024x128xf32>
    %get3A_2 = arith.constant 0 : index
    %get3A_3 = arith.constant 0 : index
    %get3A_4 = vector.load %arg2[%get3A_2, %get3A_3] : memref<1024x128xf32, #tpu.memory_space<vmem>>, vector<1024x128xf32>
    %mul3A = arith.mulf %get3A_1, %get3A_4 : vector<1024x128xf32>
    %iota3A = tpu.iota {dimensions = array<i32: 0>} : vector<128x4xi32>
    %jit3A = arith.constant 32 : i32
    %div3A = vector.broadcast %jit3A : i32 to vector<128x4xi32>
    %div3A_5 = arith.divsi %iota3A, %div3A : vector<128x4xi32>
    %sign3A = arith.constant 0 : i32
    %sign3A_6 = vector.broadcast %sign3A : i32 to vector<128x4xi32>
    %sign3A_7 = arith.cmpi sgt, %iota3A, %sign3A_6 : vector<128x4xi32>
    %sign3A_8 = arith.extui %sign3A_7 : vector<128x4xi1> to vector<128x4xi32>
    %sign3A_9 = arith.constant 0 : i32
    %sign3A_10 = vector.broadcast %sign3A_9 : i32 to vector<128x4xi32>
    %sign3A_11 = arith.cmpi slt, %iota3A, %sign3A_10 : vector<128x4xi32>
    %sign3A_12 = arith.extui %sign3A_11 : vector<128x4xi1> to vector<128x4xi32>
    %sign3A_13 = arith.subi %sign3A_8, %sign3A_12 : vector<128x4xi32>
    %sign3A_14 = arith.constant 0 : i32
    %sign3A_15 = arith.cmpi sgt, %jit3A, %sign3A_14 : i32
    %sign3A_16 = arith.extui %sign3A_15 : i1 to i32
    %sign3A_17 = arith.constant 0 : i32
    %sign3A_18 = arith.cmpi slt, %jit3A, %sign3A_17 : i32
    %sign3A_19 = arith.extui %sign3A_18 : i1 to i32
    %sign3A_20 = arith.subi %sign3A_16, %sign3A_19 : i32
    %ne3A = vector.broadcast %sign3A_20 : i32 to vector<128x4xi32>
    %ne3A_21 = arith.cmpi ne, %sign3A_13, %ne3A : vector<128x4xi32>
    %rem3A = vector.broadcast %jit3A : i32 to vector<128x4xi32>
    %rem3A_22 = arith.remsi %iota3A, %rem3A : vector<128x4xi32>
    %ne3A_23 = arith.constant 0 : i32
    %ne3A_24 = vector.broadcast %ne3A_23 : i32 to vector<128x4xi32>
    %ne3A_25 = arith.cmpi ne, %rem3A_22, %ne3A_24 : vector<128x4xi32>
    %and3A = arith.andi %ne3A_21, %ne3A_25 : vector<128x4xi1>
    %sub3A = arith.constant 1 : i32
    %sub3A_26 = vector.broadcast %sub3A : i32 to vector<128x4xi32>
    %sub3A_27 = arith.subi %div3A_5, %sub3A_26 : vector<128x4xi32>
    %select_n3A = arith.select %and3A, %sub3A_27, %div3A_5 : vector<128x4xi1>, vector<128x4xi32>
    %iota3A_28 = tpu.iota {dimensions = array<i32: 1>} : vector<128x4xi32>
    %eq3A = arith.cmpi eq, %select_n3A, %iota3A_28 : vector<128x4xi32>
    %jit3A_29 = arith.constant 1.000000e+00 : f32
    %jit3A_30 = arith.constant 0.000000e+00 : f32
    %broadcast_in_dim3A = vector.broadcast %jit3A_29 : f32 to vector<128x4xf32>
    %broadcast_in_dim3A_31 = vector.broadcast %jit3A_30 : f32 to vector<128x4xf32>
    %select_n3A_32 = arith.select %eq3A, %broadcast_in_dim3A, %broadcast_in_dim3A_31 : vector<128x4xi1>, vector<128x4xf32>
    %dot_general3A = arith.constant dense<0.000000e+00> : vector<1024x4xf32>
    %dot_general3A_33 = tpu.matmul %mul3A, %select_n3A_32, %dot_general3A {dimension_numbers = #tpu.dot_dimension_numbers<[1], [0], [0], [1], [0, 0, 1, 1], [], []>, transpose_lhs_hint = false} : vector<1024x128xf32>, vector<128x4xf32>, vector<1024x4xf32> -> vector<1024x4xf32>
    %swap3A = arith.constant 0 : index
    %swap3A_34 = arith.constant 0 : index
    %swap3A_35 = vector.load %arg3[%swap3A, %swap3A_34] : memref<1024x4xf32, #tpu.memory_space<vmem>>, vector<1024x4xf32>
    tpu.vector_store %arg3[%swap3A, %swap3A_34], %dot_general3A_33 {strides = array<i32>} : memref<1024x4xf32, #tpu.memory_space<vmem>>, vector<1024x4xf32>,
    return
  }
  func.func @transform_0(%arg0: i32) -> (i32, i32) {
    %c0_i32 = arith.constant 0 : i32
    %c0_i32_0 = arith.constant 0 : i32
    return %arg0, %c0_i32 : i32, i32
  }
  func.func @transform_1(%arg0: i32) -> (i32, i32) {
    %add3A = arith.constant 4 : i32
    %add3A_0 = arith.addi %arg0, %add3A : i32
    %c0_i32 = arith.constant 0 : i32
    %c0_i32_1 = arith.constant 0 : i32
    return %add3A_0, %c0_i32 : i32, i32
  }
  func.func @transform_2(%arg0: i32) -> (i32, i32) {
    %c0_i32 = arith.constant 0 : i32
    %c0_i32_0 = arith.constant 0 : i32
    return %arg0, %c0_i32 : i32, i32
  }
}

</mosaic_0001>

<sc_bundles>
// kernel: kernel.4.cloned.1.call-start
scs
__scs_entry_jumppad:
0x0: {  	(pc) =	sbr.rel $0x88, $3  }
0x1: {  	(tag) =	ssettag $0x0;
	lr =	simm.s32 $0x1  }
0x2: {  	[smem:$0x3F9E] =	sst lr;
	_ =	strace $0xD0000000  }
0x3: {  	_ = 	snop  }
0x4: {  	_ = 	snop  }
0x5: {  	_ = 	snop  }
0x6: {  	_ = 	snop  }
0x7: {  	_ = 	snop  }
__scs_overlays_trampoline_lowered:
0x8: {  	[smem:$0x3FAD] =	sst s0  }
0x9: {  	[smem:$0x3FAE] =	sst s1  }
0xa: {  	[smem:$0x3FAF] =	sst s2  }
0xb: {  	[smem:$0x3FB0] =	sst s3  }
0xc: {  	[smem:$0x3FB1] =	sst s4  }
0xd: {  	[smem:$0x3FB2] =	sst s5  }
0xe: {  	[smem:$0x3FB3] =	sst s6  }
0xf: {  	[smem:$0x3FB4] =	sst s7  }
0x10: {  	[smem:$0x3FB5] =	sst s8  }
0x11: {  	[smem:$0x3FB6] =	sst s9;
	s0 =	simm.s32 @!p0 $0x0  }
0x12: {  	s1 =	sld [smem:$0x3F9C];
	s0 =	simm.s32 @p0 $0x1  }
0x13: {  	[smem:$0x3FB7] =	sst s0;
	s0 =	simm.s32 @!p1 $0x0  }
0x14: {  	s2 =	sld [smem:$0x3F9B];
	s0 =	simm.s32 @p1 $0x1  }
0x15: {  	[smem:$0x3FB8] =	sst s0;
	s0 =	simm.s32 @!p2 $0x0  }
0x16: {  	s3 =	sld [smem:$0x3FDB];
	s0 =	simm.s32 @p2 $0x1  }
0x17: {  	s4 =	simm.s32 $0x1BF5;
	[smem:$0x3FBA] =	sst s0  }
0x18: {  	s0 =	sld [smem:$0x3F9D];
	_ =	swait.ge [sflag:s4], $0x0  }
0x19: {  	s7 =	sld [smem:$0x3F9E]  }
0x1a: {  	s8 =	sadd.s32 $0xFFFFE003, lr  }
0x1b: {  	s9 =	sadd.s32 $0xFFFFFEF7, lr;
	s5 =	simm.s32 $0xFFFFFFFF;
	p2 =	slt.u32 s8, $0xFFFFF086  }
0x1c: {  	p1 =	slt.u32 s9, $0xF7A;
	s5 =	simm.s32 @!p2 $0x0  }
0x1d: {  	s5 =	simm.s32 @p1 $0x1;
	p0 =	seq.s32 s7, s2  }
0x1e: {  	s7 =	smul.u32 @!p0 $0xF7A, s2;
	p2 =	seq.s32 @!p0 s5, $0x0  }
0x1f: {  	s9 =	smul.u32 $0xF7A, s1;
	s8 =	simm.s32 @!p0 $0x1BF5;
	p2 =	por !p2, p0  }
0x20: {  	[sflag:s8] =	ssyncset.s32 @!p0 $0xFFFFF086;
	s6 =	sadd.s32 @!p0 s3, s7;
	s7 =	simm.s32 @!p0 $0x108  }
0x21: {  	s3 =	sadd.s32 s3, s9;
	s6 =	sadd.s32 @!p0 $0x88, s6;
	s7 =	simm.s32 @p2 $0x1082  }
0x22: {  	[simem:s7], [sflag:s8] =	dma.local @!p0 [hbm:s6], $0xF7A  }
0x23: {  	s9 =	sor.u32 $0xD0000000, s2;
	s6 =	simm.s32 $0x108;
	_ =	swait.ge @!p0 [sflag:s8], $0x0  }
0x24: {  	s3 =	sadd.s32 $0x88, s3;
	s6 =	simm.s32 @!p1 $0x1082;
	[sflag:s4] =	ssyncset.s32 $0xFFFFF086  }
0x25: {  	[simem:s6], [sflag:s4] =	dma.local [hbm:s3], $0xF7A  }
0x26: {  	[smem:$0x3F9E] =	sst s1;
	(tag) =	ssettag s2;
	_ =	strace s9  }
0x27: {  	s1 =	sld [smem:$0x3FAE]  }
0x28: {  	s2 =	sld [smem:$0x3FAF]  }
0x29: {  	s4 =	sld [smem:$0x3FB1]  }
0x2a: {  	p0 =	seq.s32 s5, $0x0;
	s5 =	sld [smem:$0x3FB2]  }
0x2b: {  	s6 =	sld [smem:$0x3FB3]  }
0x2c: {  	s7 =	sld [smem:$0x3FB4]  }
0x2d: {  	s3 =	simm.s32 $0x108;
	s8 =	sld [smem:$0x3FB5]  }
0x2e: {  	s3 =	simm.s32 @!p0 $0x1082;
	s9 =	sld [smem:$0x3FB6]  }
0x2f: {  	lr =	sadd.s32 s0, s3;
	s0 =	sld [smem:$0x3FAD]  }
0x30: {  	s3 =	sld [smem:$0x3FB0]  }
0x31: {  	[smem:$0x3FB9] =	sst s10  }
0x32: {  	s10 =	sld [smem:$0x3FB7];
	_ =	sdelay $0x3  }
0x33: {  	p0 =	seq.s32 s10, $0x1;
	s10 =	sld [smem:$0x3FB9];
	_ =	sdelay $0x3  }
0x34: {  	[smem:$0x3FB9] =	sst s10  }
0x35: {  	s10 =	sld [smem:$0x3FB8];
	_ =	sdelay $0x3  }
0x36: {  	p1 =	seq.s32 s10, $0x1;
	s10 =	sld [smem:$0x3FB9];
	_ =	sdelay $0x3  }
0x37: {  	[smem:$0x3FB9] =	sst s10  }
0x38: {  	s10 =	sld [smem:$0x3FBA]  }
0x39: {  	_ = 	snop;
	(pc) =	sbr.ind lr, $3  }
0x3a: {  	_ = 	snop  }
0x3b: {  	_ = 	snop  }
0x3c: {  	p2 =	seq.s32 s10, $0x1;
	s10 =	sld [smem:$0x3FB9]  }
0x3d: {  	_ =	shalt  }
0x3e: {  	_ =	shalt  }
0x3f: {  	_ =	shalt  }
0x40: {  	_ =	shalt  }
0x41: {  	_ =	shalt  }
0x42: {  	_ =	shalt  }
0x43: {  	_ =	shalt  }
0x44: {  	_ =	shalt  }
0x45: {  	_ =	shalt  }
0x46: {  	_ =	shalt  }
0x47: {  	_ =	shalt  }
0x48: {  	_ =	shalt  }
0x49: {  	_ =	shalt  }
0x4a: {  	_ =	shalt  }
0x4b: {  	_ =	shalt  }
0x4c: {  	_ =	shalt  }
0x4d: {  	_ =	shalt  }
0x4e: {  	_ =	shalt  }
0x4f: {  	_ =	shalt  }
0x50: {  	_ =	shalt  }
0x51: {  	_ =	shalt  }
0x52: {  	_ =	shalt  }
0x53: {  	_ =	shalt  }
0x54: {  	_ =	shalt  }
0x55: {  	_ =	shalt  }
0x56: {  	_ =	shalt  }
0x57: {  	_ =	shalt  }
0x58: {  	_ =	shalt  }
0x59: {  	_ =	shalt  }
0x5a: {  	_ =	shalt  }
0x5b: {  	_ =	shalt  }
0x5c: {  	_ =	shalt  }
0x5d: {  	_ =	shalt  }
0x5e: {  	_ =	shalt  }
0x5f: {  	_ =	shalt  }
0x60: {  	_ =	shalt  }
0x61: {  	_ =	shalt  }
0x62: {  	_ =	shalt  }
0x63: {  	_ =	shalt  }
0x64: {  	_ =	shalt  }
0x65: {  	_ =	shalt  }
0x66: {  	_ =	shalt  }
0x67: {  	_ =	shalt  }
0x68: {  	_ =	shalt  }
0x69: {  	_ =	shalt  }
0x6a: {  	_ =	shalt  }
0x6b: {  	_ =	shalt  }
0x6c: {  	_ =	shalt  }
0x6d: {  	_ =	shalt  }
0x6e: {  	_ =	shalt  }
0x6f: {  	_ =	shalt  }
0x70: {  	_ =	shalt  }
0x71: {  	_ =	shalt  }
0x72: {  	_ =	shalt  }
0x73: {  	_ =	shalt  }
0x74: {  	_ =	shalt  }
0x75: {  	_ =	shalt  }
0x76: {  	_ =	shalt  }
0x77: {  	_ =	shalt  }
0x78: {  	_ =	shalt  }
0x79: {  	_ =	shalt  }
0x7a: {  	_ =	shalt  }
0x7b: {  	_ =	shalt  }
0x7c: {  	_ =	shalt  }
0x7d: {  	_ =	shalt  }
0x7e: {  	_ =	shalt  }
0x7f: {  	_ =	shalt  }
0x80: {  	_ =	shalt  }
0x81: {  	_ =	shalt  }
0x82: {  	_ =	shalt  }
0x83: {  	_ =	shalt  }
0x84: {  	_ =	shalt  }
0x85: {  	_ =	shalt  }
0x86: {  	_ =	shalt  }
0x87: {  	_ =	shalt  }
.Lfunc_end0:
.L_simem_size_0:
called_computation_lowered:
.L_overlay_start_0:
0x88: {  	s2 =	sld [smem:$0x3FD9]  }
0x89: {  	s3 =	sld [smem:$0x3FFE];
	_ =	sdelay $0x1  }
0x8a: {  	s1 =	srdreg.scid  }
0x8b: {  	s0 =	sand.u32 $0x1, s1  }
0x8c: {  	s17 =	sshll.u32 s0, $0xA;
	s2 =	sadd.s32 s3, s2  }
0x8d: {  	s2 =	sadd.s32 s2, s17  }
0x8e: {  	[smem:$0x3FC5] =	sst s2  }
0x8f: {  	_ = 	snop  }
0x90: {  	s2 =	sld [smem:$0x3FC9]  }
0x91: {  	s18 =	sld [smem:$0x3FC8]  }
0x92: {  	s4 =	sld [smem:$0x3FC7]  }
0x93: {  	s5 =	sld [smem:$0x3FD0];
	(tm) =	ssettm $0x1  }
0x94: {  	s6 =	sld [smem:$0x3FFB];
	_ =	sdelay $0x3  }
0x95: {  	_ =	strace s6  }
0x96: {  	s6 =	sld [smem:$0x3FFC];
	_ =	sdelay $0x3  }
0x97: {  	_ =	strace s6  }
0x98: {  	s6 =	sld [smem:$0x3FFD];
	_ =	sdelay $0x3  }
0x99: {  	_ =	strace s6  }
0x9a: {  	_ =	strace $0x8FFFFFFF  }
0x9b: {  	s19 =	sld [smem:$0x3FDB];
	_ =	sdelay $0x1  }
0x9c: {  	s7 =	simm.s32 $_scs_section_size  }
0x9d: {  	s8 =	simm.s32 $_size__tile_overlayer_lowered;
	s9 =	simm.s32 $_tile_overlayer_lowered  }
0x9e: {  	s22 =	simm.s32 $0x1BFF;
	s21 =	sshll.u32 s9, $0x1;
	s6 =	sadd.s32 s7, s19  }
0x9f: {  	s10 =	simm.s32 $0x0;
	s20 =	sshll.u32 s8, $0x1;
	s8 =	sadd.s32 s21, s6  }
0xa0: {  	[timem:s10], [sflag:s22] =	dma.local [hbm:s8], s20  }
0xa1: {  	_ =	swait.ge [sflag:s22], s20  }
0xa2: {  	s7 =	ssub.s32 $0x0, s20;
	[sflag:s22] =	ssyncset.done $0x0  }
0xa3: {  	[sflag:s22] =	ssyncadd.s32 s7;
	_ =	sdelay $0x1  }
0xa4: {  	s23 =	simm.s32 $0x1B8B  }
0xa5: {  	_ =	swait.ge [sflag:s23], $0x1  }
0xa6: {  	[sflag:s23] =	ssyncset.done $0x0  }
0xa7: {  	s25 =	simm.s32 $0x1B8E;
	s24 =	sld [smem:$0x3FFE];
	[sflag:s23] =	ssyncadd.s32 $0xFFFFFFFF  }
0xa8: {  	s26 =	simm.s32 $execute0_lowered;
	[smem:$0x3FD2] =	sst s25  }
0xa9: {  	s8 =	sshll.u32 s26, $0x1;
	_ =	strace $0x80000046;
	[dreg:$0x1] =	wrdreg $0xFFFFFFFF  }
0xaa: {  	s28 =	simm.s32 $_size_execute0_lowered;
	s6 =	sadd.s32 s6, s8;
	[dreg:$0x0] =	wrdreg $0x0  }
0xab: {  	s8 =	sshll.u32 s28, $0x1;
	[dreg:$0x2] =	wrdreg s6  }
0xac: {  	[dreg:$0x3] =	wrdreg s8  }
0xad: {  	[dreg:$0x4] =	wrdreg $0xC0  }
0xae: {  	_ =	task [dreg:s10], $0x5FFFF  }
0xaf: {  	[dreg:$0x1] =	wrdreg $0xFFFFFFFF  }
0xb0: {  	[dreg:$0x0] =	wrdreg $0x60  }
0xb1: {  	[dreg:$0x2] =	wrdreg s2  }
0xb2: {  	[dreg:$0x3] =	wrdreg s18  }
0xb3: {  	[dreg:$0x4] =	wrdreg s4  }
0xb4: {  	[dreg:$0x5] =	wrdreg s5  }
0xb5: {  	[dreg:$0x6] =	wrdreg s24  }
0xb6: {  	[dreg:$0x7] =	wrdreg $0x9  }
0xb7: {  	_ =	task.clear_ibuf [dreg:s10], $0x8FFFF;
	_ =	strace $0x90000046  }
0xb8: {  	s29 =	simm.s32 $0x9;
	_ =	strace $0x80000048  }
0xb9: {  	_ =	swait.ge [sflag:s29], $0x1  }
0xba: {  	[sflag:s29] =	ssyncadd.s32 $0xFFFFFFFF  }
0xbb: {  	_ =	strace $0x90000048  }
0xbc: {  	_ =	sfence  }
0xbd: {  	s30 =	sld [smem:$0x0];
	_ =	sdelay $0x2  }
0xbe: {  	s31 =	sshll.u32 s1, $0xD;
	s1 =	sshrl.u32 s1, $0x2  }
0xbf: {  	s3 =	sand.u32 $0x4000, s31;
	s1 =	sadd.s32 s1, s30  }
0xc0: {  	s0 =	sor.u32 s3, s0;
	s1 =	sshll.u32 s1, $0x11  }
0xc1: {  	s0 =	sor.u32 s1, s0  }
0xc2: {  	s0 =	sadd.s32 $0x8F2B, s0  }
0xc3: {  	[sflag:s0] =	ssyncadd.remote.s32 $0x1  }
0xc4: {  	_ =	sfence.sel $0xFFFF  }
0xc5: {  	[dreg:$0x0] =	wrdreg $0xFFFFFFFF;
	(pc) =	sbr.abs _section_cstart, $3  }
0xc6: {  	[dreg:$0x1] =	wrdreg $0xFFFFFFFF  }
0xc7: {  	_ =	task.clear_ibuf [dreg:s10], $0x2FFFF;
	_ =	strace $0x9FFFFFFF  }
0xc8: {  	(tm) =	ssettm $0x7FFFFFFF  }
0xc9: {  	_ =	shalt  }
tec
execute0_lowered:
.L_overlay_start_1:
0x0: {  	(tag) =	ssettag $0x1  }
0x1: {  	s4 =	rddreg [dreg:$0x1]  }
0x2: {  	s15 =	rddreg [dreg:$0x2]  }
0x3: {  	s0 =	srdreg.scid;
	s18 =	rddreg [dreg:$0x3]  }
0x4: {  	s12 =	stileid.u32;
	s6 =	simm.s32 $0xF5;
	s9 =	rddreg [dreg:$0x4]  }
0x5: {  	s21 =	simm.s32 $0x3;
	s23 =	simm.s32 $0x1980;
	s25 =	simm.s32 $0x1  }
0x6: {  	s28 =	simm.s32 $0x2000;
	s16 =	simm.s32 $0x7A1400;
	s5 =	sand.u32 $0x1, s0  }
0x7: {  	v2 =	vlaneseq.u32;
	v3 =	vimm.s32 $0x2380;
	vm0 =	vcmask $0x300;
	s9 =	sadd.s32 $0x600, s9;
	s31 =	sadd.s32 $0x80, s18;
	s17 =	sadd.s32 $0x100, s18  }
0x8: {  	v4 =	vimm.s32 $0x6380;
	vm1 =	vcmask $0x704;
	vm15 =	vcmask $0xB08;
	s0 =	sshll.u32 s5, $0x4;
	s10 =	ssub.s32 $0x2, s5;
	s5 =	smul.u32 $0xF40, s5  }
0x9: {  	vm4 =	vcmask $0xF0C;
	v3 =	vsel vm0, $0x0, v3;
	v4 =	vsel vm0, $0x4000, v4;
	s18 =	sadd.s32 $0x180, s18;
	s1 =	sor.u32 s12, s0;
	s12 =	smul.u32 $0xF4, s12  }
0xa: {  	vm5 =	vcmask $0x1310;
	v3 =	vsel vm1, $0x80, v3;
	v4 =	vsel vm1, $0x4080, v4;
	s11 =	sshrl.u32 s10, $0x1;
	s2 =	smul.u32 $0xF4, s1;
	p0 =	slt.u32 s1, $0x5  }
0xb: {  	vm6 =	vcmask $0x1714;
	v3 =	vsel vm15, $0x100, v3;
	v4 =	vsel vm15, $0x4100, v4;
	s0 =	smin.u32 s1, $0x5;
	s11 =	ssub.s32 s10, s11;
	s6 =	simm.s32 @!p0 $0xF4  }
0xc: {  	vm7 =	vcmask $0x1B18;
	v3 =	vsel vm4, $0x180, v3;
	v4 =	vsel vm4, $0x4180, v4;
	s14 =	sadd.s32 s12, s5;
	s26 =	sadd.s32 s12, s0;
	s30 =	smax.u32 s11, $0x1  }
0xd: {  	vm8 =	vcmask $0x1F1C;
	v3 =	vsel vm5, $0x200, v3;
	v4 =	vsel vm5, $0x4200, v4;
	s1 =	sadd.s32 s0, s2;
	s2 =	rddreg [dreg:$0x0];
	s5 =	sadd.s32 s5, s26  }
0xe: {  	vm9 =	vcmask $0x2320;
	v3 =	vsel vm6, $0x280, v3;
	v4 =	vsel vm6, $0x4280, v4;
	s26 =	simm.s32 $0x2;
	s3 =	sadd.s32 s6, s1;
	s7 =	sshll.u32 s1, $0x7  }
0xf: {  	vm10 =	vcmask $0x2724;
	s6 =	sadd.s32 s0, s6;
	v3 =	vsel vm7, $0x300, v3;
	v4 =	vsel vm7, $0x4300, v4;
	s0 =	sadd.s32 s0, s14;
	s8 =	sshll.u32 s3, $0x7  }
0x10: {  	s10 =	smin.u32 s3, $0x1E84;
	s13 =	sadd.s32 s15, s7;
	v3 =	vsel vm8, $0x380, v3;
	v4 =	vsel vm8, $0x4380, v4;
	v1 =	vmov s8;
	s8 =	simm.s32 $0x0  }
0x11: {  	vm11 =	vcmask $0x2B28;
	s6 =	sadd.s32 s6, s14;
	s0 =	sshll.u32 s0, $0x7;
	v3 =	vsel vm9, $0x2000, v3;
	v4 =	vsel vm9, $0x6000, v4;
	[smem:$0x7FF] =	sst s8  }
0x12: {  	vm12 =	vcmask $0x2F2C;
	s29 =	sadd.s32 $0x400, s13;
	v3 =	vsel vm10, $0x2080, v3;
	v4 =	vsel vm10, $0x6080, v4;
	_ =	strace $0x80000047;
	[dreg:$0x6] =	wrdreg s13  }
.Ltmp0:
0x13: {  	vm13 =	vcmask $0x3330;
	p0 =	sgt.u32 s3, $0x1E84;
	[dreg:$0x7] =	wrdreg s29;
	v3 =	vsel vm11, $0x2100, v3;
	v4 =	vsel vm11, $0x6100, v4;
	(pc) =	sbr.rel .LBB2_1-.Ltmp0, $4  }
0x14: {  	vm14 =	vcmask $0x3734;
	s6 =	smin.u32 s6, $0x1E84;
	s0 =	sadd.s32 s15, s0;
	[dreg:$0x9] =	wrdreg s30;
	v3 =	vsel vm12, $0x2180, v3;
	v4 =	vsel vm12, $0x6180, v4  }
0x15: {  	vm15 =	vcmask $0x3B38;
	s5 =	ssub.s32 s6, s5;
	s0 =	sadd.s32 $0x800, s0;
	[dreg:$0xb] =	wrdreg s31;
	v3 =	vsel vm13, $0x2200, v3;
	v4 =	vsel vm13, $0x6200, v4  }
0x16: {  	v0 =	vmov s7;
	p1 =	slt.u32 s3, $0x1E85;
	s5 =	sadd.s32 $0xFFFFFFF0, s5;
	[dreg:$0xa] =	wrdreg s0;
	v5 =	vsel vm14, $0x2280, v3;
	v6 =	vsel vm14, $0x6280, v4  }
0x17: {  	s13 =	sadd.s32 $0x10, s1;
	[dreg:$0x8] =	wrdreg s5;
	s5 =	simm.s32 $0x0;
	v3 =	vimm.s32 $0xFFFFFFFF;
	v4 =	vsel vm15, $0x2300, v5;
	v5 =	vsel vm15, $0x6300, v6  }
.LBB2_38:
0x18: {  	[sflag:s26] =	ssyncadd.s32 $0xFFFFFFE0  }
.LBB2_39:
0x19: {  	s5 =	sadd.s32 $0x1, s5;
	s0 =	rddreg [dreg:$0x9]  }
0x1a: {  	p2 =	sne.s32 s5, s0  }
.Ltmp1:
0x1b: {  	_ = 	snop;
	(pc) =	sbr.rel @!p2 .LBB2_40-.Ltmp1, $1  }
0x1c: {  	_ =	sdelay $0x3  }
.LBB2_1:
0x1d: {  	[dreg:$0xc] =	wrdreg s5  }
0x1e: {  	s14 =	simm.s32 $0x0;
	s12 =	simm.s32 $0x0;
	s29 =	simm.s32 $0x0  }
.LBB2_2:
0x1f: {  	s0 =	sshll.u32 s29, $0x7;
	s5 =	sshll.u32 s29, $0x8  }
0x20: {  	s6 =	simm.s32 $0x0;
	s0 =	sand.u32 $0x80, s0;
	s5 =	sadd.s32 s2, s5  }
0x21: {  	[tilespmem:s0], [sflag:$0x3] =	stream.linear.gather [hbm4b:s5+s6], $0x80, $0x38;
	[tilespmem:$0x19980] =	vst v63  }
0x22: {  	s7 =	sadd.s32 $0x10, s5;
	s11 =	sor.u32 $0x100, s0  }
0x23: {  	[tilespmem:s11], [sflag:$0x3] =	stream.linear.gather [hbm4b:s7+s6], $0x80, $0x38;
	[tilespmem:$0x19980] =	vst v63  }
0x24: {  	s24 =	sadd.s32 $0x20, s5;
	s31 =	sor.u32 $0x200, s0  }
0x25: {  	[tilespmem:s31], [sflag:$0x3] =	stream.linear.gather [hbm4b:s24+s6], $0x80, $0x38;
	[tilespmem:$0x19980] =	vst v63  }
0x26: {  	s15 =	sadd.s32 $0x30, s5;
	s19 =	sor.u32 $0x300, s0  }
0x27: {  	[tilespmem:s19], [sflag:$0x3] =	stream.linear.gather [hbm4b:s15+s6], $0x80, $0x38;
	[tilespmem:$0x19980] =	vst v63  }
0x28: {  	s20 =	sadd.s32 $0x40, s5;
	s22 =	sor.u32 $0x400, s0  }
0x29: {  	[tilespmem:s22], [sflag:$0x3] =	stream.linear.gather [hbm4b:s20+s6], $0x80, $0x38;
	[tilespmem:$0x19980] =	vst v63  }
0x2a: {  	s24 =	sadd.s32 $0x50, s5;
	s31 =	sor.u32 $0x500, s0  }
0x2b: {  	[tilespmem:s31], [sflag:$0x3] =	stream.linear.gather [hbm4b:s24+s6], $0x80, $0x38;
	[tilespmem:$0x19980] =	vst v63  }
0x2c: {  	s15 =	sadd.s32 $0x60, s5;
	s19 =	sor.u32 $0x600, s0  }
0x2d: {  	[tilespmem:s19], [sflag:$0x3] =	stream.linear.gather [hbm4b:s15+s6], $0x80, $0x38;
	[tilespmem:$0x19980] =	vst v63  }
0x2e: {  	s20 =	sadd.s32 $0x70, s5;
	s22 =	sor.u32 $0x700, s0  }
0x2f: {  	[tilespmem:s22], [sflag:$0x3] =	stream.linear.gather [hbm4b:s20+s6], $0x80, $0x38;
	[tilespmem:$0x19980] =	vst v63  }
0x30: {  	s24 =	sadd.s32 $0x80, s5;
	s31 =	sor.u32 $0x800, s0  }
0x31: {  	[tilespmem:s31], [sflag:$0x3] =	stream.linear.gather [hbm4b:s24+s6], $0x80, $0x38;
	[tilespmem:$0x19980] =	vst v63  }
0x32: {  	s15 =	sadd.s32 $0x90, s5;
	s19 =	sor.u32 $0x900, s0  }
0x33: {  	[tilespmem:s19], [sflag:$0x3] =	stream.linear.gather [hbm4b:s15+s6], $0x80, $0x38;
	[tilespmem:$0x19980] =	vst v63  }
0x34: {  	s20 =	sadd.s32 $0xA0, s5;
	s22 =	sor.u32 $0xA00, s0  }
0x35: {  	[tilespmem:s22], [sflag:$0x3] =	stream.linear.gather [hbm4b:s20+s6], $0x80, $0x38;
	[tilespmem:$0x19980] =	vst v63  }
0x36: {  	s24 =	sadd.s32 $0xB0, s5;
	s31 =	sor.u32 $0xB00, s0  }
0x37: {  	[tilespmem:s31], [sflag:$0x3] =	stream.linear.gather [hbm4b:s24+s6], $0x80, $0x38;
	[tilespmem:$0x19980] =	vst v63  }
0x38: {  	s11 =	sadd.s32 $0xC0, s5;
	s15 =	sor.u32 $0xC00, s0  }
0x39: {  	[tilespmem:s15], [sflag:$0x3] =	stream.linear.gather [hbm4b:s11+s6], $0x80, $0x38;
	[tilespmem:$0x19980] =	vst v63  }
0x3a: {  	s19 =	sadd.s32 $0xD0, s5;
	s20 =	sor.u32 $0xD00, s0  }
0x3b: {  	[tilespmem:s20], [sflag:$0x3] =	stream.linear.gather [hbm4b:s19+s6], $0x80, $0x38;
	[tilespmem:$0x19980] =	vst v63  }
0x3c: {  	s22 =	sadd.s32 $0xE0, s5;
	s24 =	sor.u32 $0xE00, s0  }
0x3d: {  	[tilespmem:s24], [sflag:$0x3] =	stream.linear.gather [hbm4b:s22+s6], $0x80, $0x38;
	[tilespmem:$0x19980] =	vst v63  }
0x3e: {  	v6 =	vmov s0;
	s5 =	sadd.s32 $0xF0, s5;
	s31 =	sor.u32 $0xF00, s0  }
0x3f: {  	[tilespmem:s31], [sflag:$0x3] =	stream.linear.gather [hbm4b:s5+s6], $0x80, $0x38;
	[tilespmem:$0x19980] =	vst v63  }
0x40: {  	_ =	swait.ge [sflag:s21], $0x800  }
0x41: {  	s7 =	sand.u32 $0x40, s6;
	s5 =	sand.u32 $0xF00, s6;
	[sflag:s21] =	ssyncset.done $0x0  }
0x42: {  	s0 =	sor.u32 s7, s5;
	[sflag:s21] =	ssyncadd.s32 $0xFFFFF800  }
0x43: {  	v7 =	vld.idx.msk [tilespmem:v6+s0+$0x0 ss:$0x1], $0xffff;
	_ =	sdelay $0x4  }
0x44: {  	vm0 =	vge.s32 v7, v0;
	vm1 =	vlt.s32 v7, v1;
	v7 =	vsub.s32 v7, v0  }
0x45: {  	s0 =	sadd.s32 $0x0, s14;
	vm0 =	vmand vm0, vm1;
	v7 =	vshll.u32 v7, $0x10  }
0x46: {  	s11 =	simm.s32 $0x10;
	v8 =	vmpcnt.ones.xlane vm0;
	v7 =	vadd.s32 s0, v7  }
0x47: {  	s6 =	sand.u32 $0x50, s11;
	v7 =	vadd.s32 v2, v7  }
0x48: {  	s6 =	sor.u32 s6, s5;
	[tilespmem:s12+$0x1000] =	vst.msk vm0, v7;
	(v2sf) =	vpush v8, $0x0  }
0x49: {  	v7 =	vld.idx.msk [tilespmem:v6+s6+$0x0 ss:$0x1], $0xffff;
	_ =	sdelay $0x4  }
0x4a: {  	vm0 =	vge.s32 v7, v0;
	vm1 =	vlt.s32 v7, v1  }
0x4b: {  	vm0 =	vmand vm0, vm1  }
0x4c: {  	v8 =	vmpcnt.ones.xlane vm0;
	_ =	sdelay $0x1  }
0x4d: {  	(v2sf) =	vpush v8, $0x0;
	_ =	sdelay $0x2  }
0x4e: {  	v7 =	vsub.s32 v7, v0  }
0x4f: {  	s15 =	sadd.s32 $0x10, s0;
	v7 =	vshll.u32 v7, $0x10  }
0x50: {  	s19 =	simm.s32 $0x20;
	v7 =	vor.u32 s15, v7;
	s20 =	spop (v2sf)  }
0x51: {  	s7 =	sand.u32 $0x60, s19;
	v7 =	vor.u32 v2, v7;
	s6 =	sadd.s32 s12, s20  }
0x52: {  	s7 =	sor.u32 s7, s5;
	[tilespmem:s6+$0x1000] =	vst.msk vm0, v7  }
0x53: {  	v7 =	vld.idx.msk [tilespmem:v6+s7+$0x0 ss:$0x1], $0xffff;
	_ =	sdelay $0x4  }
0x54: {  	vm0 =	vge.s32 v7, v0;
	vm1 =	vlt.s32 v7, v1;
	v7 =	vsub.s32 v7, v0  }
0x55: {  	s22 =	sadd.s32 $0x20, s0;
	vm0 =	vmand vm0, vm1;
	v7 =	vshll.u32 v7, $0x10  }
0x56: {  	s24 =	simm.s32 $0x30;
	v8 =	vmpcnt.ones.xlane vm0;
	v7 =	vor.u32 s22, v7;
	s31 =	spop (v2sf)  }
0x57: {  	s7 =	sand.u32 $0x70, s24;
	s6 =	sadd.s32 s6, s31;
	v7 =	vor.u32 v2, v7  }
0x58: {  	s5 =	sor.u32 s7, s5;
	[tilespmem:s6+$0x1000] =	vst.msk vm0, v7;
	(v2sf) =	vpush v8, $0x0  }
0x59: {  	v7 =	vld.idx.msk [tilespmem:v6+s5+$0x0 ss:$0x1], $0xffff;
	_ =	sdelay $0x4  }
0x5a: {  	vm0 =	vge.s32 v7, v0;
	vm1 =	vlt.s32 v7, v1  }
0x5b: {  	vm0 =	vmand vm0, vm1  }
0x5c: {  	v8 =	vmpcnt.ones.xlane vm0;
	_ =	sdelay $0x1  }
0x5d: {  	(v2sf) =	vpush v8, $0x0;
	_ =	sdelay $0x2  }
0x5e: {  	v7 =	vsub.s32 v7, v0  }
0x5f: {  	s12 =	sadd.s32 $0x30, s0;
	v7 =	vshll.u32 v7, $0x10  }
0x60: {  	s0 =	simm.s32 $0x40;
	v7 =	vor.u32 s12, v7;
	s12 =	simm.s32 $0x80;
	s15 =	spop (v2sf)  }
0x61: {  	s19 =	sand.u32 $0x40, s0;
	s24 =	sand.u32 $0xF00, s12;
	v7 =	vor.u32 v2, v7;
	s5 =	sadd.s32 s6, s15  }
0x62: {  	s20 =	sor.u32 s19, s24;
	[tilespmem:s5+$0x1000] =	vst.msk vm0, v7  }
0x63: {  	v7 =	vld.idx.msk [tilespmem:v6+s20+$0x0 ss:$0x1], $0xffff;
	_ =	sdelay $0x3  }
0x64: {  	s31 =	simm.s32 $0x60  }
0x65: {  	s22 =	simm.s32 $0x50;
	s7 =	sand.u32 $0x60, s31;
	vm0 =	vge.s32 v7, v0;
	vm1 =	vlt.s32 v7, v1;
	v7 =	vsub.s32 v7, v0  }
0x66: {  	s30 =	sadd.s32 $0x40, s14;
	s7 =	sor.u32 s7, s24;
	s6 =	sand.u32 $0x50, s22;
	vm0 =	vmand vm0, vm1;
	v8 =	vshll.u32 v7, $0x10  }
0x67: {  	s15 =	simm.s32 $0x80;
	s11 =	sor.u32 s6, s24;
	v7 =	vmpcnt.ones.xlane vm0;
	v8 =	vadd.s32 s30, v8;
	s6 =	spop (v2sf)  }
.LBB2_3:
0x68: {  	p2 =	sne.s32 s15, $0x7C0  }
0x69: {  	v8 =	vadd.s32 v2, v8;
	s5 =	sadd.s32 s5, s6;
	s6 =	smov.u32 s15;
	s15 =	sadd.s32 $0x40, s15  }
0x6a: {  	[tilespmem:s5+$0x1000] =	vst.msk vm0, v8;
	(v2sf) =	vpush v7, $0x0  }
0x6b: {  	v7 =	vld.idx.msk [tilespmem:v6+s11+$0x0 ss:$0x1], $0xffff;
	_ =	sdelay $0x5  }
0x6c: {  	vm0 =	vge.s32 v7, v0;
	vm1 =	vlt.s32 v7, v1;
	v7 =	vsub.s32 v7, v0  }
0x6d: {  	s11 =	sadd.s32 $0x10, s30;
	vm0 =	vmand vm0, vm1;
	v7 =	vshll.u32 v7, $0x10  }
0x6e: {  	v8 =	vmpcnt.ones.xlane vm0;
	v7 =	vor.u32 s11, v7;
	_ =	sdelay $0x1  }
0x6f: {  	(v2sf) =	vpush v8, $0x0;
	_ =	sdelay $0x3  }
0x70: {  	s11 =	spop (v2sf)  }
0x71: {  	v7 =	vor.u32 v2, v7;
	s5 =	sadd.s32 s5, s11  }
0x72: {  	[tilespmem:s5+$0x1000] =	vst.msk vm0, v7  }
0x73: {  	v7 =	vld.idx.msk [tilespmem:v6+s7+$0x0 ss:$0x1], $0xffff;
	_ =	sdelay $0x5  }
0x74: {  	vm0 =	vge.s32 v7, v0;
	vm1 =	vlt.s32 v7, v1;
	v7 =	vsub.s32 v7, v0  }
0x75: {  	s7 =	sadd.s32 $0x20, s30;
	vm0 =	vmand vm0, vm1;
	v7 =	vshll.u32 v7, $0x10  }
0x76: {  	v8 =	vmpcnt.ones.xlane vm0;
	v7 =	vor.u32 s7, v7;
	s7 =	sadd.s32 $0x30, s0;
	s0 =	smov.u32 s6;
	s11 =	spop (v2sf)  }
0x77: {  	v7 =	vor.u32 v2, v7;
	s6 =	sand.u32 $0x70, s7;
	s5 =	sadd.s32 s5, s11  }
0x78: {  	s6 =	sor.u32 s6, s24;
	[tilespmem:s5+$0x1000] =	vst.msk vm0, v7;
	(v2sf) =	vpush v8, $0x0  }
0x79: {  	v7 =	vld.idx.msk [tilespmem:v6+s6+$0x0 ss:$0x1], $0xffff;
	_ =	sdelay $0x5  }
0x7a: {  	vm0 =	vge.s32 v7, v0;
	vm1 =	vlt.s32 v7, v1;
	v7 =	vsub.s32 v7, v0  }
0x7b: {  	s6 =	sadd.s32 $0x30, s30;
	vm0 =	vmand vm0, vm1;
	v7 =	vshll.u32 v7, $0x10  }
0x7c: {  	v8 =	vmpcnt.ones.xlane vm0;
	v7 =	vor.u32 s6, v7;
	_ =	sdelay $0x1  }
0x7d: {  	(v2sf) =	vpush v8, $0x0;
	_ =	sdelay $0x2  }
0x7e: {  	s12 =	sadd.s32 $0x80, s12;
	s6 =	sadd.s32 $0x10, s0  }
0x7f: {  	s7 =	sand.u32 $0x40, s0;
	s19 =	sadd.s32 $0x20, s0;
	s11 =	spop (v2sf)  }
0x80: {  	s24 =	sand.u32 $0xF00, s12;
	s6 =	sand.u32 $0x50, s6;
	v7 =	vor.u32 v2, v7;
	s5 =	sadd.s32 s5, s11  }
0x81: {  	s7 =	sor.u32 s7, s24;
	s11 =	sor.u32 s6, s24;
	s6 =	sand.u32 $0x60, s19;
	[tilespmem:s5+$0x1000] =	vst.msk vm0, v7  }
0x82: {  	v7 =	vld.idx.msk [tilespmem:v6+s7+$0x0 ss:$0x1], $0xffff;
	s7 =	sor.u32 s6, s24;
	_ =	sdelay $0x3  }
.Ltmp2:
0x83: {  	(pc) =	sbr.rel @p2 .LBB2_3-.Ltmp2, $4  }
0x84: {  	_ = 	snop  }
0x85: {  	vm0 =	vge.s32 v7, v0;
	vm1 =	vlt.s32 v7, v1;
	v7 =	vsub.s32 v7, v0  }
0x86: {  	s30 =	sadd.s32 s0, s14;
	vm0 =	vmand vm0, vm1;
	v8 =	vshll.u32 v7, $0x10  }
0x87: {  	v7 =	vmpcnt.ones.xlane vm0;
	v8 =	vadd.s32 s30, v8;
	s6 =	spop (v2sf)  }
0x88: {  	_ =	sdelay $0x1  }
0x89: {  	v8 =	vadd.s32 v2, v8;
	s5 =	sadd.s32 s5, s6  }
0x8a: {  	[tilespmem:s5+$0x1000] =	vst.msk vm0, v8;
	(v2sf) =	vpush v7, $0x0  }
0x8b: {  	v7 =	vld.idx.msk [tilespmem:v6+s11+$0x0 ss:$0x1], $0xffff;
	_ =	sdelay $0x4  }
0x8c: {  	vm11 =	vge.s32 v7, v0;
	vm1 =	vlt.s32 v7, v1  }
0x8d: {  	vm0 =	vmand vm11, vm1  }
0x8e: {  	v61 =	vmpcnt.ones.xlane vm0;
	_ =	sdelay $0x1  }
0x8f: {  	(v2sf) =	vpush v61, $0x0;
	_ =	sdelay $0x2  }
0x90: {  	v7 =	vsub.s32 v7, v0  }
0x91: {  	s15 =	sadd.s32 $0x10, s30;
	v7 =	vshll.u32 v7, $0x10  }
0x92: {  	v7 =	vor.u32 s15, v7;
	s19 =	spop (v2sf)  }
0x93: {  	v7 =	vor.u32 v2, v7;
	s5 =	sadd.s32 s5, s19  }
0x94: {  	[tilespmem:s5+$0x1000] =	vst.msk vm0, v7  }
0x95: {  	v7 =	vld.idx.msk [tilespmem:v6+s7+$0x0 ss:$0x1], $0xffff;
	_ =	sdelay $0x4  }
0x96: {  	v62 =	vsub.s32 v7, v0  }
0x97: {  	s20 =	sadd.s32 $0x20, s30;
	v8 =	vshll.u32 v62, $0x10  }
0x98: {  	s0 =	sadd.s32 $0x30, s0;
	vm12 =	vge.s32 v7, v0;
	vm13 =	vlt.s32 v7, v1;
	v7 =	vor.u32 s20, v8;
	s22 =	spop (v2sf)  }
0x99: {  	s0 =	sand.u32 $0x70, s0;
	vm0 =	vmand vm12, vm13;
	s5 =	sadd.s32 s5, s22;
	v7 =	vor.u32 v2, v7  }
0x9a: {  	s0 =	sor.u32 s0, s24;
	[tilespmem:s5+$0x1000] =	vst.msk vm0, v7  }
0x9b: {  	v6 =	vld.idx.msk [tilespmem:v6+s0+$0x0 ss:$0x1], $0xffff;
	_ =	sdelay $0x4  }
0x9c: {  	vm14 =	vge.s32 v6, v0;
	vm2 =	vlt.s32 v6, v1  }
0x9d: {  	v7 =	vmpcnt.ones.xlane vm0;
	vm15 =	vmand vm14, vm2  }
0x9e: {  	v63 =	vmpcnt.ones.xlane vm15  }
0x9f: {  	(v2sf) =	vpush v7, $0x0  }
0xa0: {  	(v2sf) =	vpush v63, $0x0;
	_ =	sdelay $0x9  }
0xa1: {  	s29 =	sadd.s32 $0x1, s29  }
0xa2: {  	p2 =	sne.s32 s29, $0x8  }
.Ltmp3:
0xa3: {  	v6 =	vsub.s32 v6, v0;
	(pc) =	sbr.rel @p2 .LBB2_2-.Ltmp3, $4  }
0xa4: {  	s24 =	sadd.s32 $0x30, s30;
	v6 =	vshll.u32 v6, $0x10  }
0xa5: {  	v6 =	vor.u32 s24, v6;
	s30 =	spop (v2sf)  }
0xa6: {  	v6 =	vor.u32 v2, v6;
	s0 =	sadd.s32 s5, s30;
	s31 =	spop (v2sf)  }
0xa7: {  	s14 =	sadd.s32 $0x800, s14;
	[tilespmem:s0+$0x1000] =	vst.msk vm15, v6;
	s12 =	sadd.s32 s0, s31;
	s0 =	simm.s32 $0x0  }
0xa8: {  	s14 =	simm.s32 $0x0;
	s29 =	simm.s32 $0x0  }
.LBB2_6:
0xa9: {  	s5 =	sshll.u32 s29, $0x7;
	s6 =	sshll.u32 s29, $0x8  }
0xaa: {  	s5 =	sand.u32 $0x80, s5;
	s6 =	sadd.s32 s4, s6  }
0xab: {  	[tilespmem:s5], [sflag:$0x3] =	stream.linear.gather [hbm4b:s6+s0], $0x80, $0x38;
	[tilespmem:$0x19980] =	vst v63  }
0xac: {  	s7 =	sadd.s32 $0x10, s6;
	s11 =	sor.u32 $0x100, s5  }
0xad: {  	[tilespmem:s11], [sflag:$0x3] =	stream.linear.gather [hbm4b:s7+s0], $0x80, $0x38;
	[tilespmem:$0x19980] =	vst v63  }
0xae: {  	s22 =	sadd.s32 $0x20, s6;
	s24 =	sor.u32 $0x200, s5  }
0xaf: {  	[tilespmem:s24], [sflag:$0x3] =	stream.linear.gather [hbm4b:s22+s0], $0x80, $0x38;
	[tilespmem:$0x19980] =	vst v63  }
0xb0: {  	s15 =	sor.u32 $0x300, s5;
	s11 =	sadd.s32 $0x30, s6  }
0xb1: {  	[tilespmem:s15], [sflag:$0x3] =	stream.linear.gather [hbm4b:s11+s0], $0x80, $0x38;
	[tilespmem:$0x19980] =	vst v63  }
0xb2: {  	s19 =	sadd.s32 $0x40, s6;
	s20 =	sor.u32 $0x400, s5  }
0xb3: {  	[tilespmem:s20], [sflag:$0x3] =	stream.linear.gather [hbm4b:s19+s0], $0x80, $0x38;
	[tilespmem:$0x19980] =	vst v63  }
0xb4: {  	s22 =	sadd.s32 $0x50, s6;
	s24 =	sor.u32 $0x500, s5  }
0xb5: {  	[tilespmem:s24], [sflag:$0x3] =	stream.linear.gather [hbm4b:s22+s0], $0x80, $0x38;
	[tilespmem:$0x19980] =	vst v63  }
0xb6: {  	s11 =	sadd.s32 $0x60, s6;
	s15 =	sor.u32 $0x600, s5  }
0xb7: {  	[tilespmem:s15], [sflag:$0x3] =	stream.linear.gather [hbm4b:s11+s0], $0x80, $0x38;
	[tilespmem:$0x19980] =	vst v63  }
0xb8: {  	s19 =	sadd.s32 $0x70, s6;
	s20 =	sor.u32 $0x700, s5  }
0xb9: {  	[tilespmem:s20], [sflag:$0x3] =	stream.linear.gather [hbm4b:s19+s0], $0x80, $0x38;
	[tilespmem:$0x19980] =	vst v63  }
0xba: {  	s22 =	sadd.s32 $0x80, s6;
	s24 =	sor.u32 $0x800, s5  }
0xbb: {  	[tilespmem:s24], [sflag:$0x3] =	stream.linear.gather [hbm4b:s22+s0], $0x80, $0x38;
	[tilespmem:$0x19980] =	vst v63  }
0xbc: {  	s11 =	sadd.s32 $0x90, s6;
	s15 =	sor.u32 $0x900, s5  }
0xbd: {  	[tilespmem:s15], [sflag:$0x3] =	stream.linear.gather [hbm4b:s11+s0], $0x80, $0x38;
	[tilespmem:$0x19980] =	vst v63  }
0xbe: {  	s19 =	sadd.s32 $0xA0, s6;
	s20 =	sor.u32 $0xA00, s5  }
0xbf: {  	[tilespmem:s20], [sflag:$0x3] =	stream.linear.gather [hbm4b:s19+s0], $0x80, $0x38;
	[tilespmem:$0x19980] =	vst v63  }
0xc0: {  	s22 =	sadd.s32 $0xB0, s6;
	s24 =	sor.u32 $0xB00, s5  }
0xc1: {  	[tilespmem:s24], [sflag:$0x3] =	stream.linear.gather [hbm4b:s22+s0], $0x80, $0x38;
	[tilespmem:$0x19980] =	vst v63  }
0xc2: {  	s11 =	sadd.s32 $0xC0, s6;
	s15 =	sor.u32 $0xC00, s5  }
0xc3: {  	[tilespmem:s15], [sflag:$0x3] =	stream.linear.gather [hbm4b:s11+s0], $0x80, $0x38;
	[tilespmem:$0x19980] =	vst v63  }
0xc4: {  	s19 =	sadd.s32 $0xD0, s6;
	s20 =	sor.u32 $0xD00, s5  }
0xc5: {  	[tilespmem:s20], [sflag:$0x3] =	stream.linear.gather [hbm4b:s19+s0], $0x80, $0x38;
	[tilespmem:$0x19980] =	vst v63  }
0xc6: {  	s22 =	sadd.s32 $0xE0, s6;
	s24 =	sor.u32 $0xE00, s5  }
0xc7: {  	[tilespmem:s24], [sflag:$0x3] =	stream.linear.gather [hbm4b:s22+s0], $0x80, $0x38;
	[tilespmem:$0x19980] =	vst v63  }
0xc8: {  	v6 =	vmov s5;
	s6 =	sadd.s32 $0xF0, s6;
	s15 =	sor.u32 $0xF00, s5  }
0xc9: {  	[tilespmem:s15], [sflag:$0x3] =	stream.linear.gather [hbm4b:s6+s0], $0x80, $0x38;
	[tilespmem:$0x19980] =	vst v63  }
0xca: {  	_ =	swait.ge [sflag:s21], $0x800  }
0xcb: {  	s19 =	sand.u32 $0x40, s0;
	s6 =	sand.u32 $0xF00, s0;
	[sflag:s21] =	ssyncset.done $0x0  }
0xcc: {  	s5 =	sor.u32 s19, s6;
	[sflag:s21] =	ssyncadd.s32 $0xFFFFF800  }
0xcd: {  	v7 =	vld.idx.msk [tilespmem:v6+s5+$0x0 ss:$0x1], $0xffff;
	_ =	sdelay $0x4  }
0xce: {  	vm0 =	vge.s32 v7, v0;
	vm1 =	vlt.s32 v7, v1  }
0xcf: {  	vm0 =	vmand vm0, vm1  }
0xd0: {  	v8 =	vmpcnt.ones.xlane vm0;
	_ =	sdelay $0x1  }
0xd1: {  	(v2sf) =	vpush v8, $0x0  }
0xd2: {  	s5 =	sadd.s32 $0x0, s14;
	v7 =	vsub.s32 v7, v0  }
0xd3: {  	s20 =	sadd.s32 $0x4000, s5;
	v7 =	vshll.u32 v7, $0x10  }
0xd4: {  	s22 =	simm.s32 $0x10;
	v7 =	vor.u32 s20, v7  }
0xd5: {  	s24 =	sand.u32 $0x50, s22;
	v7 =	vor.u32 v2, v7  }
0xd6: {  	s7 =	sor.u32 s24, s6;
	[tilespmem:s12+$0x1000] =	vst.msk vm0, v7  }
0xd7: {  	v7 =	vld.idx.msk [tilespmem:v6+s7+$0x0 ss:$0x1], $0xffff;
	_ =	sdelay $0x4  }
0xd8: {  	vm0 =	vge.s32 v7, v0;
	vm1 =	vlt.s32 v7, v1  }
0xd9: {  	vm0 =	vmand vm0, vm1  }
0xda: {  	v8 =	vmpcnt.ones.xlane vm0;
	_ =	sdelay $0x1  }
0xdb: {  	s19 =	spop (v2sf);
	(v2sf) =	vpush v8, $0x0;
	_ =	sdelay $0x1  }
0xdc: {  	v7 =	vsub.s32 v7, v0  }
0xdd: {  	s11 =	sadd.s32 $0x4010, s5;
	v7 =	vshll.u32 v7, $0x10  }
0xde: {  	s15 =	simm.s32 $0x20;
	v7 =	vor.u32 s11, v7  }
0xdf: {  	s11 =	sand.u32 $0x60, s15;
	v7 =	vor.u32 v2, v7;
	s7 =	sadd.s32 s12, s19  }
0xe0: {  	s11 =	sor.u32 s11, s6;
	[tilespmem:s7+$0x1000] =	vst.msk vm0, v7  }
0xe1: {  	v7 =	vld.idx.msk [tilespmem:v6+s11+$0x0 ss:$0x1], $0xffff;
	_ =	sdelay $0x4  }
0xe2: {  	vm0 =	vge.s32 v7, v0;
	vm1 =	vlt.s32 v7, v1  }
0xe3: {  	v7 =	vsub.s32 v7, v0;
	vm0 =	vmand vm0, vm1  }
0xe4: {  	s20 =	sadd.s32 $0x4020, s5;
	v7 =	vshll.u32 v7, $0x10;
	v8 =	vmpcnt.ones.xlane vm0  }
0xe5: {  	s22 =	simm.s32 $0x30;
	v7 =	vor.u32 s20, v7;
	s24 =	spop (v2sf)  }
0xe6: {  	s12 =	sand.u32 $0x70, s22;
	v7 =	vor.u32 v2, v7;
	(v2sf) =	vpush v8, $0x0;
	s7 =	sadd.s32 s7, s24  }
0xe7: {  	s6 =	sor.u32 s12, s6;
	[tilespmem:s7+$0x1000] =	vst.msk vm0, v7  }
0xe8: {  	v7 =	vld.idx.msk [tilespmem:v6+s6+$0x0 ss:$0x1], $0xffff;
	_ =	sdelay $0x4  }
0xe9: {  	v8 =	vsub.s32 v7, v0;
	vm0 =	vge.s32 v7, v0;
	vm1 =	vlt.s32 v7, v1  }
0xea: {  	s5 =	sadd.s32 $0x4030, s5;
	v8 =	vshll.u32 v8, $0x10;
	vm0 =	vmand vm0, vm1  }
0xeb: {  	v7 =	vor.u32 s5, v8;
	v8 =	vmpcnt.ones.xlane vm0;
	_ =	sdelay $0x1  }
0xec: {  	(v2sf) =	vpush v8, $0x0;
	_ =	sdelay $0x3  }
0xed: {  	s12 =	simm.s32 $0x40;
	s24 =	simm.s32 $0x80;
	s15 =	spop (v2sf)  }
0xee: {  	s19 =	sand.u32 $0x40, s12;
	s30 =	sand.u32 $0xF00, s24;
	v7 =	vor.u32 v2, v7;
	s5 =	sadd.s32 s7, s15  }
0xef: {  	s6 =	sor.u32 s19, s30;
	[tilespmem:s5+$0x1000] =	vst.msk vm0, v7  }
0xf0: {  	v7 =	vld.idx.msk [tilespmem:v6+s6+$0x0 ss:$0x1], $0xffff;
	_ =	sdelay $0x3  }
0xf1: {  	s31 =	sadd.s32 $0x40, s14;
	s22 =	simm.s32 $0x60;
	s20 =	simm.s32 $0x50  }
0xf2: {  	s15 =	simm.s32 $0x80;
	s7 =	sand.u32 $0x60, s22;
	s6 =	sand.u32 $0x50, s20;
	vm0 =	vge.s32 v7, v0;
	vm1 =	vlt.s32 v7, v1;
	v7 =	vsub.s32 v7, v0  }
0xf3: {  	s7 =	sor.u32 s7, s30;
	s11 =	sor.u32 s6, s30;
	s6 =	sadd.s32 $0x4000, s31;
	vm0 =	vmand vm0, vm1;
	v7 =	vshll.u32 v7, $0x10  }
.LBB2_7:
0xf4: {  	p2 =	sne.s32 s15, $0x7C0  }
0xf5: {  	v8 =	vmpcnt.ones.xlane vm0;
	v7 =	vor.u32 s6, v7;
	s6 =	spop (v2sf);
	s19 =	smov.u32 s15;
	s15 =	sadd.s32 $0x40, s15  }
0xf6: {  	v7 =	vor.u32 v2, v7;
	s5 =	sadd.s32 s5, s6  }
0xf7: {  	[tilespmem:s5+$0x1000] =	vst.msk vm0, v7;
	(v2sf) =	vpush v8, $0x0  }
0xf8: {  	v7 =	vld.idx.msk [tilespmem:v6+s11+$0x0 ss:$0x1], $0xffff;
	_ =	sdelay $0x5  }
0xf9: {  	vm0 =	vge.s32 v7, v0;
	vm1 =	vlt.s32 v7, v1;
	v7 =	vsub.s32 v7, v0  }
0xfa: {  	s6 =	sadd.s32 $0x4010, s31;
	vm0 =	vmand vm0, vm1;
	v7 =	vshll.u32 v7, $0x10  }
0xfb: {  	v8 =	vmpcnt.ones.xlane vm0;
	v7 =	vor.u32 s6, v7;
	_ =	sdelay $0x1  }
0xfc: {  	(v2sf) =	vpush v8, $0x0;
	_ =	sdelay $0x3  }
0xfd: {  	s6 =	spop (v2sf)  }
0xfe: {  	v7 =	vor.u32 v2, v7;
	s5 =	sadd.s32 s5, s6  }
0xff: {  	[tilespmem:s5+$0x1000] =	vst.msk vm0, v7  }
0x100: {  	v7 =	vld.idx.msk [tilespmem:v6+s7+$0x0 ss:$0x1], $0xffff;
	_ =	sdelay $0x5  }
0x101: {  	vm0 =	vge.s32 v7, v0;
	vm1 =	vlt.s32 v7, v1;
	v7 =	vsub.s32 v7, v0  }
0x102: {  	s6 =	sadd.s32 $0x4020, s31;
	s7 =	sadd.s32 $0x30, s12;
	s12 =	smov.u32 s19;
	vm0 =	vmand vm0, vm1;
	v7 =	vshll.u32 v7, $0x10  }
0x103: {  	v8 =	vmpcnt.ones.xlane vm0;
	v7 =	vor.u32 s6, v7;
	s6 =	sand.u32 $0x70, s7;
	s7 =	spop (v2sf)  }
0x104: {  	v7 =	vor.u32 v2, v7;
	s6 =	sor.u32 s6, s30;
	s5 =	sadd.s32 s5, s7  }
0x105: {  	[tilespmem:s5+$0x1000] =	vst.msk vm0, v7;
	(v2sf) =	vpush v8, $0x0  }
0x106: {  	v7 =	vld.idx.msk [tilespmem:v6+s6+$0x0 ss:$0x1], $0xffff;
	_ =	sdelay $0x5  }
0x107: {  	vm0 =	vge.s32 v7, v0;
	vm1 =	vlt.s32 v7, v1;
	v7 =	vsub.s32 v7, v0  }
0x108: {  	s6 =	sadd.s32 $0x4030, s31;
	vm0 =	vmand vm0, vm1;
	v7 =	vshll.u32 v7, $0x10  }
0x109: {  	v8 =	vmpcnt.ones.xlane vm0;
	v7 =	vor.u32 s6, v7;
	_ =	sdelay $0x1  }
0x10a: {  	(v2sf) =	vpush v8, $0x0;
	_ =	sdelay $0x2  }
0x10b: {  	s24 =	sadd.s32 $0x80, s24;
	s7 =	sadd.s32 $0x20, s12;
	s6 =	sadd.s32 $0x10, s12  }
0x10c: {  	s11 =	sand.u32 $0x40, s12;
	s30 =	sand.u32 $0xF00, s24;
	s19 =	spop (v2sf)  }
0x10d: {  	s20 =	sor.u32 s11, s30;
	s6 =	sand.u32 $0x50, s6;
	v7 =	vor.u32 v2, v7;
	s5 =	sadd.s32 s5, s19  }
0x10e: {  	s11 =	sor.u32 s6, s30;
	s6 =	sand.u32 $0x60, s7;
	[tilespmem:s5+$0x1000] =	vst.msk vm0, v7  }
0x10f: {  	s7 =	sor.u32 s6, s30;
	v7 =	vld.idx.msk [tilespmem:v6+s20+$0x0 ss:$0x1], $0xffff;
	_ =	sdelay $0x2  }
.Ltmp4:
0x110: {  	(pc) =	sbr.rel @p2 .LBB2_7-.Ltmp4, $3  }
0x111: {  	_ =	sdelay $0x1  }
0x112: {  	s31 =	sadd.s32 s12, s14;
	vm0 =	vge.s32 v7, v0;
	vm1 =	vlt.s32 v7, v1;
	v7 =	vsub.s32 v7, v0  }
0x113: {  	s6 =	sadd.s32 $0x4000, s31;
	vm0 =	vmand vm0, vm1;
	v7 =	vshll.u32 v7, $0x10  }
0x114: {  	_ = 	snop  }
0x115: {  	v8 =	vmpcnt.ones.xlane vm0;
	v7 =	vor.u32 s6, v7;
	s22 =	spop (v2sf)  }
0x116: {  	v7 =	vor.u32 v2, v7;
	s5 =	sadd.s32 s5, s22  }
0x117: {  	[tilespmem:s5+$0x1000] =	vst.msk vm0, v7;
	(v2sf) =	vpush v8, $0x0  }
0x118: {  	v7 =	vld.idx.msk [tilespmem:v6+s11+$0x0 ss:$0x1], $0xffff;
	_ =	sdelay $0x4  }
0x119: {  	vm11 =	vge.s32 v7, v0;
	vm1 =	vlt.s32 v7, v1  }
0x11a: {  	vm0 =	vmand vm11, vm1  }
0x11b: {  	v61 =	vmpcnt.ones.xlane vm0;
	_ =	sdelay $0x1  }
0x11c: {  	(v2sf) =	vpush v61, $0x0;
	_ =	sdelay $0x2  }
0x11d: {  	v7 =	vsub.s32 v7, v0  }
0x11e: {  	s24 =	sadd.s32 $0x4010, s31;
	v7 =	vshll.u32 v7, $0x10  }
0x11f: {  	v7 =	vor.u32 s24, v7;
	s11 =	spop (v2sf)  }
0x120: {  	v7 =	vor.u32 v2, v7;
	s5 =	sadd.s32 s5, s11  }
0x121: {  	[tilespmem:s5+$0x1000] =	vst.msk vm0, v7  }
0x122: {  	v7 =	vld.idx.msk [tilespmem:v6+s7+$0x0 ss:$0x1], $0xffff;
	_ =	sdelay $0x4  }
0x123: {  	v62 =	vsub.s32 v7, v0  }
0x124: {  	s15 =	sadd.s32 $0x4020, s31;
	v8 =	vshll.u32 v62, $0x10  }
0x125: {  	s19 =	sadd.s32 $0x30, s12;
	vm12 =	vge.s32 v7, v0;
	vm13 =	vlt.s32 v7, v1;
	v7 =	vor.u32 s15, v8;
	s20 =	spop (v2sf)  }
0x126: {  	s7 =	sand.u32 $0x70, s19;
	vm0 =	vmand vm12, vm13;
	s5 =	sadd.s32 s5, s20;
	v7 =	vor.u32 v2, v7  }
0x127: {  	s22 =	sor.u32 s7, s30;
	[tilespmem:s5+$0x1000] =	vst.msk vm0, v7  }
0x128: {  	v6 =	vld.idx.msk [tilespmem:v6+s22+$0x0 ss:$0x1], $0xffff;
	_ =	sdelay $0x4  }
0x129: {  	vm14 =	vge.s32 v6, v0;
	vm2 =	vlt.s32 v6, v1  }
0x12a: {  	v7 =	vmpcnt.ones.xlane vm0;
	vm15 =	vmand vm14, vm2  }
0x12b: {  	v63 =	vmpcnt.ones.xlane vm15  }
0x12c: {  	(v2sf) =	vpush v7, $0x0  }
0x12d: {  	(v2sf) =	vpush v63, $0x0;
	_ =	sdelay $0x9  }
0x12e: {  	s29 =	sadd.s32 $0x1, s29  }
0x12f: {  	p2 =	sne.s32 s29, $0x8  }
.Ltmp5:
0x130: {  	v6 =	vsub.s32 v6, v0;
	(pc) =	sbr.rel @p2 .LBB2_6-.Ltmp5, $4  }
0x131: {  	s24 =	sadd.s32 $0x4030, s31;
	v6 =	vshll.u32 v6, $0x10  }
0x132: {  	v6 =	vor.u32 s24, v6;
	s30 =	spop (v2sf)  }
0x133: {  	v6 =	vor.u32 v2, v6;
	s5 =	sadd.s32 s5, s30;
	s31 =	spop (v2sf)  }
0x134: {  	s14 =	sadd.s32 $0x800, s14;
	[tilespmem:s5+$0x1000] =	vst.msk vm15, v6;
	s12 =	sadd.s32 s5, s31  }
0x135: {  	s0 =	rddreg [dreg:$0x6];
	s5 =	simm.s32 $0x2000  }
0x136: {  	s6 =	simm.s32 $0x7A1400;
	s22 =	rddreg [dreg:$0x7];
	s7 =	simm.s32 $0x9980  }
.Ltmp6:
0x137: {  	[tilespmem:s12+$0x1000] =	vst v3;
	s24 =	sadd.s32 $0xF, s12;
	s29 =	simm.s32 $0x0;
	(pc) =	sbr.rel .LBB2_10-.Ltmp6, $4  }
0x138: {  	[tilespmem:s23], [sflag:$0x1] =	stream.strided.gather [hbm4b:s0+s5], $0x8000, s6, s5, $0x38;
	[tilespmem:$0x19980] =	vst v63  }
0x139: {  	p2 =	por $0x0, $0x0;
	s31 =	rddreg [dreg:$0xa];
	s30 =	sshra.s32 s24, $0x4  }
0x13a: {  	s14 =	rddreg [dreg:$0x8];
	s0 =	simm.s32 $0x0;
	p3 =	slt.s32 s30, $0x1  }
0x13b: {  	[tilespmem:s7], [sflag:$0x1] =	stream.strided.gather [hbm4b:s22+s5], $0x8000, s6, s5, $0x38;
	[tilespmem:$0x19980] =	vst v63  }
.LBB2_32:
0x13c: {  	[tilespmem:s15], [sflag:$0x1] =	stream.linear.gather [hbm4b:s6+s8], $0x400, $0x38;
	[tilespmem:$0x19980] =	vst v63  }
.LBB2_33:
0x13d: {  	s6 =	sadd.s32 $0xFFFFE183, s5  }
0x13e: {  	p4 =	sgt.u32 @!p1 s6, $0x7  }
0x13f: {  	p4 =	por p4, p1  }
0x140: {  	s6 =	sshll.u32 @!p4 s24, $0xF;
	s5 =	sshll.u32 @!p4 s5, $0xA  }
0x141: {  	s5 =	ssub.s32 @!p4 s6, s5  }
0x142: {  	s11 =	rddreg [dreg:$0x3];
	s7 =	simm.s32 @!p4 $0x0;
	s6 =	sadd.s32 @!p4 $0x7A2980, s5  }
0x143: {  	[tilespmem:s6], [sflag:$0x1] =	stream.linear.gather @!p4 [hbm4b:s11+s7], $0x400, $0x38;
	[tilespmem:$0x19980] =	vst v63  }
0x144: {  	s6 =	sadd.s32 @!p4 $0x7A4980, s5;
	s11 =	rddreg [dreg:$0xb]  }
0x145: {  	[tilespmem:s6], [sflag:$0x1] =	stream.linear.gather @!p4 [hbm4b:s11+s7], $0x400, $0x38;
	[tilespmem:$0x19980] =	vst v63  }
0x146: {  	s6 =	sadd.s32 @!p4 $0x7A6980, s5  }
0x147: {  	[tilespmem:s6], [sflag:$0x1] =	stream.linear.gather @!p4 [hbm4b:s17+s7], $0x400, $0x38;
	[tilespmem:$0x19980] =	vst v63  }
0x148: {  	s5 =	sadd.s32 @!p4 $0x7A8980, s5  }
0x149: {  	[tilespmem:s5], [sflag:$0x1] =	stream.linear.gather @!p4 [hbm4b:s18+s7], $0x400, $0x38;
	[tilespmem:$0x19980] =	vst v63  }
.LBB2_34:
0x14a: {  	s0 =	sadd.s32 $0x1, s0  }
0x14b: {  	p4 =	sne.s32 s0, $0x1F  }
.Ltmp7:
0x14c: {  	_ = 	snop;
	(pc) =	sbr.rel @!p4 .LBB2_35-.Ltmp7, $2  }
0x14d: {  	_ =	sdelay $0x2  }
0x14e: {  	s14 =	sadd.s32 $0xFFFFFFF8, s14;
	p2 =	por !p2, !p2;
	s31 =	sadd.s32 $0x400, s31  }
.LBB2_10:
0x14f: {  	s12 =	sshll.u32 s0, $0x3  }
0x150: {  	s6 =	sadd.s32 s1, s12  }
0x151: {  	s5 =	sadd.s32 $0x8, s6  }
0x152: {  	p4 =	sgt.u32 s5, s10  }
.Ltmp8:
0x153: {  	_ = 	snop;
	(pc) =	sbr.rel @!p4 .LBB2_11-.Ltmp8, $1  }
0x154: {  	_ =	sdelay $0x3  }
0x155: {  	s7 =	sadd.s32 $0xFFFFE183, s6  }
0x156: {  	s6 =	ssub.s32 s10, s6;
	p4 =	slt.u32 s7, $0x8  }
0x157: {  	p5 =	sgt.s32 s6, $0x0;
	p4 =	por !p0, !p4  }
0x158: {  	s7 =	simm.s32 $0x1;
	s6 =	simm.s32 @!p5 $0x0;
	p4 =	por !p4, !p4  }
0x159: {  	s6 =	smin.u32 s6, $0x8;
	s7 =	simm.s32 @!p4 $0x0  }
0x15a: {  	s7 =	sadd.s32 s7, s6  }
0x15b: {  	p4 =	seq.s32 s7, $0x0  }
.Ltmp9:
0x15c: {  	_ = 	snop;
	(pc) =	sbr.rel @p4 .LBB2_16-.Ltmp9, $2  }
0x15d: {  	_ =	sdelay $0x2  }
0x15e: {  	s6 =	simm.s32 $0x0  }
0x15f: {  	s6 =	sadd.s32 $0x1, s6  }
0x160: {  	p4 =	slt.u32 s6, s7  }
.Ltmp10:
0x161: {  	_ = 	snop;
	(pc) =	sbr.rel @!p4 .LBB2_15-.Ltmp10, $3  }
0x162: {  	_ =	sdelay $0x1  }
0x163: {  	_ =	swait.ge [sflag:s25], $0x1000  }
0x164: {  	[sflag:s25] =	ssyncset.done $0x0  }
.LBB2_14:
0x165: {  	s6 =	sadd.s32 $0x1, s6  }
0x166: {  	[sflag:s25] =	ssyncadd.s32 $0xFFFFF000;
	p4 =	slt.u32 s6, s7  }
.Ltmp11:
0x167: {  	(pc) =	sbr.rel @p4 .LBB2_14-.Ltmp11, $3  }
0x168: {  	_ =	sdelay $0x1  }
0x169: {  	_ =	swait.ge [sflag:s25], $0x1000  }
0x16a: {  	[sflag:s25] =	ssyncset.done $0x0  }
.LBB2_15:
.Ltmp12:
0x16b: {  	(pc) =	sbr.rel .LBB2_16-.Ltmp12, $2  }
0x16c: {  	_ =	sdelay $0x2  }
0x16d: {  	[sflag:s25] =	ssyncadd.s32 $0xFFFFF000  }
.LBB2_11:
0x16e: {  	_ =	swait.ge [sflag:s25], $0x8000  }
0x16f: {  	[sflag:s25] =	ssyncset.done $0x0  }
0x170: {  	[sflag:s25] =	ssyncadd.s32 $0xFFFF8000  }
.LBB2_16:
.Ltmp13:
0x171: {  	(pc) =	sbr.rel @p3 .LBB2_26-.Ltmp13, $2  }
0x172: {  	_ =	sdelay $0x2  }
0x173: {  	s24 =	sand.u32 $0x1, s0  }
0x174: {  	p5 =	sne.s32 s30, $0x1  }
.Ltmp14:
0x175: {  	_ = 	snop;
	(pc) =	sbr.rel @!p5 .LBB2_18-.Ltmp14, $4  }
0x176: {  	s5 =	smin.u32 s5, s3  }
0x177: {  	s5 =	ssub.s32 s5, s1  }
0x178: {  	s6 =	sshll.u32 s0, $0x1A;
	s7 =	simm.s32 $0x1000;
	s5 =	sshll.u32 s5, $0x17  }
0x179: {  	p4 =	por $0x0, $0x0;
	v6 =	vmov s6;
	v8 =	vld [tilespmem:s7+$0x0];
	s6 =	sadd.s32 $0xFFFFFFFF, s30;
	v7 =	vmov s5;
	s5 =	simm.s32 $0x0  }
0x17a: {  	_ =	sdelay $0x3  }
0x17b: {  	vm0 =	vge.s32 v8, v6;
	vm1 =	vlt.s32 v8, v7  }
0x17c: {  	vm0 =	vmand vm0, vm1  }
0x17d: {  	v9 =	vmpcnt.ones.xlane vm0;
	_ =	sdelay $0x1  }
0x17e: {  	(v2sf) =	vpush v9, $0x0;
	_ =	sdelay $0x1  }
0x17f: {  	p5 =	sne.s32 s6, $0x1  }
.Ltmp15:
0x180: {  	_ = 	snop;
	(pc) =	sbr.rel @!p5 .LBB2_20-.Ltmp15, $3  }
0x181: {  	_ =	sdelay $0x1  }
0x182: {  	s11 =	simm.s32 $0x1010;
	[tilespmem:s5+$0x1880] =	vst.msk vm0, v8  }
0x183: {  	s15 =	sadd.s32 $0xFFFFFFFF, s6;
	p4 =	por $0x1, $0x1;
	s7 =	simm.s32 $0x0;
	v8 =	vld [tilespmem:s11+$0x0]  }
.LBB2_21:
0x184: {  	p5 =	sne.s32 s15, $0x1;
	_ =	sdelay $0x3  }
0x185: {  	vm0 =	vge.s32 v8, v6;
	vm1 =	vlt.s32 v8, v7  }
0x186: {  	vm0 =	vmand vm0, vm1  }
0x187: {  	v9 =	vmpcnt.ones.xlane vm0  }
0x188: {  	s6 =	spop (v2sf)  }
0x189: {  	(v2sf) =	vpush v9, $0x0;
	s7 =	sadd.s32 s7, s6  }
0x18a: {  	[tilespmem:s7+$0x1880] =	vst.msk vm0, v8;
	_ =	sdelay $0x1  }
.Ltmp16:
0x18b: {  	(pc) =	sbr.rel @p5 .LBB2_21-.Ltmp16, $3  }
0x18c: {  	_ =	sdelay $0x1  }
0x18d: {  	s11 =	sadd.s32 $0x10, s11  }
0x18e: {  	s15 =	sadd.s32 $0xFFFFFFFF, s15;
	v8 =	vld [tilespmem:s11+$0x0]  }
.LBB2_22:
0x18f: {  	_ =	sdelay $0x3  }
0x190: {  	vm0 =	vge.s32 v8, v6;
	vm1 =	vlt.s32 v8, v7  }
0x191: {  	vm0 =	vmand vm0, vm1  }
0x192: {  	v6 =	vmpcnt.ones.xlane vm0;
	_ =	sdelay $0x1  }
0x193: {  	(v2sf) =	vpush v6, $0x0;
	_ =	sdelay $0xc  }
0x194: {  	s6 =	spop @p4 (v2sf)  }
0x195: {  	s6 =	sadd.s32 @p4 s7, s6  }
0x196: {  	s5 =	smov.u32 @p4 s6;
	s22 =	spop (v2sf)  }
0x197: {  	s19 =	sadd.s32 s5, s22  }
0x198: {  	p4 =	slt.s32 s19, $0x1  }
.Ltmp17:
0x199: {  	_ = 	snop;
	(pc) =	sbr.rel @p4 .LBB2_26-.Ltmp17, $2  }
0x19a: {  	_ =	sdelay $0x2  }
0x19b: {  	[tilespmem:s5+$0x1880] =	vst.msk vm0, v8  }
0x19c: {  	s5 =	simm.s32 $0x1880  }
0x19d: {  	v6 =	vld [tilespmem:s5+$0x0];
	_ =	sdelay $0x4  }
0x19e: {  	(v2sf) =	vpush v6, $0x0;
	_ =	sdelay $0xe  }
0x19f: {  	s22 =	spop (v2sf)  }
0x1a0: {  	s15 =	sshll.u32 s0, $0xA;
	s6 =	sshra.s32 s22, $0x10  }
0x1a1: {  	s6 =	ssub.s32 s6, s15  }
0x1a2: {  	s7 =	sshll.u32 s24, $0xF;
	v7 =	vmov s6  }
0x1a3: {  	v6 =	vor.u32 s7, v4;
	v8 =	vand.u32 $0x7F, v7;
	v9 =	vshll.u32 v7, $0x3  }
0x1a4: {  	v7 =	vor.u32 s7, v5;
	v9 =	vand.u32 $0xFFFFFC00, v9;
	v10 =	vor.u32 v8, v6  }
0x1a5: {  	v8 =	vor.u32 v8, v7;
	v10 =	vadd.s32 v9, v10  }
0x1a6: {  	v8 =	vadd.s32 v9, v8;
	_ =	sdelay $0x2  }
0x1a7: {  	s7 =	sadd.s32 s29, s19;
	s19 =	sadd.s32 $0xFFFFFFFF, s19  }
0x1a8: {  	p4 =	slt.s32 s29, $0x100;
	p5 =	sne.s32 s19, $0x0;
	v9 =	vld.idx.msk [tilespmem:v10+s23+$0x0], $0xffff  }
.Ltmp18:
0x1a9: {  	s6 =	simm.s32 @!p4 $0x2;
	v8 =	vld.idx.msk [tilespmem:v8+s23+$0x0], $0xffff;
	(pc) =	sbr.rel @!p5 .LBB2_25-.Ltmp18, $4  }
0x1aa: {  	_ =	swait.ge @!p4 [sflag:s6], $0x20  }
0x1ab: {  	s11 =	sshll.u32 s29, $0x7;
	s5 =	sshll.u32 s22, $0x2;
	[sflag:s6] =	ssyncset.done @!p4 $0x0  }
0x1ac: {  	s20 =	sand.u32 $0x7F80, s11;
	s5 =	sand.u32 $0x3FFFC, s5;
	[sflag:s6] =	ssyncadd.s32 @!p4 $0xFFFFFFE0  }
0x1ad: {  	s22 =	sadd.s32 s9, s5;
	s5 =	simm.s32 $0x1881;
	s6 =	sadd.s32 $0x11980, s20;
	[tilespmem:s20+$0x11980] =	vst v9  }
.LBB2_24:
0x1ae: {  	s19 =	sadd.s32 $0xFFFFFFFF, s19;
	[tilespmem:s20+$0x11990] =	vst v8;
	s29 =	sadd.s32 $0x1, s29;
	s11 =	sadd.s32 $0x80, s11  }
0x1af: {  	[hbm4b:s22+s8] =	stream.linear.scatter [tilespmem:s6], [sflag:$0x2], $0x20, $0x38;
	[tilespmem:$0x19980] =	vst v63  }
0x1b0: {  	p4 =	sne.s32 s19, $0x0;
	v8 =	vld [tilespmem:s5+$0x0];
	_ =	sdelay $0x4  }
0x1b1: {  	(v2sf) =	vpush v8, $0x0;
	_ =	sdelay $0xe  }
0x1b2: {  	s6 =	spop (v2sf)  }
0x1b3: {  	s20 =	sshra.s32 s6, $0x10;
	s6 =	sshll.u32 s6, $0x2  }
0x1b4: {  	s20 =	ssub.s32 s20, s15;
	s22 =	sand.u32 $0x3FFFC, s6  }
0x1b5: {  	v8 =	vmov s20  }
0x1b6: {  	v9 =	vand.u32 $0x7F, v8;
	v8 =	vshll.u32 v8, $0x3  }
0x1b7: {  	v8 =	vand.u32 $0xFFFFFC00, v8;
	v10 =	vor.u32 v9, v6;
	v9 =	vor.u32 v9, v7  }
0x1b8: {  	v10 =	vadd.s32 v8, v10;
	v8 =	vadd.s32 v8, v9;
	_ =	sdelay $0x4  }
0x1b9: {  	v9 =	vld.idx.msk [tilespmem:v10+s23+$0x0], $0xffff  }
0x1ba: {  	p5 =	slt.s32 s29, $0x100;
	v8 =	vld.idx.msk [tilespmem:v8+s23+$0x0], $0xffff  }
.Ltmp19:
0x1bb: {  	s6 =	simm.s32 @!p5 $0x2;
	(pc) =	sbr.rel @p4 .LBB2_24-.Ltmp19, $4  }
0x1bc: {  	_ =	swait.ge @!p5 [sflag:s6], $0x20  }
0x1bd: {  	[sflag:s6] =	ssyncset.done @!p5 $0x0  }
0x1be: {  	s20 =	sand.u32 $0x7F80, s11;
	[sflag:s6] =	ssyncadd.s32 @!p5 $0xFFFFFFE0  }
0x1bf: {  	s5 =	sadd.s32 $0x1, s5;
	s22 =	sadd.s32 s9, s22;
	s6 =	sadd.s32 $0x11980, s20;
	[tilespmem:s20+$0x11980] =	vst v9  }
.LBB2_25:
0x1c0: {  	[tilespmem:s20+$0x11990] =	vst v8;
	s29 =	smov.u32 s7  }
0x1c1: {  	[hbm4b:s22+s8] =	stream.linear.scatter [tilespmem:s6], [sflag:$0x2], $0x20, $0x38;
	[tilespmem:$0x19980] =	vst v63  }
.LBB2_26:
0x1c2: {  	p4 =	sgt.u32 s0, $0x1C  }
.Ltmp20:
0x1c3: {  	_ = 	snop;
	(pc) =	sbr.rel @p4 .LBB2_34-.Ltmp20, $1  }
0x1c4: {  	_ =	sdelay $0x3  }
0x1c5: {  	s5 =	sadd.s32 s12, s13  }
0x1c6: {  	s6 =	sadd.s32 $0x8, s5  }
0x1c7: {  	p4 =	sgt.u32 s6, s10  }
.Ltmp21:
0x1c8: {  	_ = 	snop;
	(pc) =	sbr.rel @!p4 .LBB2_28-.Ltmp21, $1  }
0x1c9: {  	_ =	sdelay $0x3  }
0x1ca: {  	p4 =	sle.u32 s10, s5  }
.Ltmp22:
0x1cb: {  	_ = 	snop;
	(pc) =	sbr.rel @p4 .LBB2_33-.Ltmp22, $1  }
0x1cc: {  	_ =	sdelay $0x3  }
0x1cd: {  	s6 =	simm.s32 $0x1;
	p4 =	sgt.s32 s14, $0x1;
	s7 =	smov.u32 s14  }
0x1ce: {  	s6 =	simm.s32 @!p2 $0x0;
	s7 =	simm.s32 @!p4 $0x1  }
0x1cf: {  	s6 =	sshll.u32 s6, $0xF;
	s15 =	smin.u32 s7, $0x8  }
0x1d0: {  	s12 =	sor.u32 $0x1980, s6;
	s6 =	sshll.u32 s15, $0xC  }
0x1d1: {  	[tilespmem:s12], [sflag:$0x1] =	stream.linear.gather [hbm4b:s31+s8], $0x400, $0x38;
	[tilespmem:$0x19980] =	vst v63  }
0x1d2: {  	s19 =	sadd.s32 $0xF4280, s31;
	p4 =	sne.s32 s6, $0x1000  }
.Ltmp23:
0x1d3: {  	s20 =	sadd.s32 $0x1E8500, s31;
	s11 =	sadd.s32 $0x2000, s12;
	(pc) =	sbr.rel @!p4 .LBB2_32-.Ltmp23, $4  }
0x1d4: {  	s22 =	sadd.s32 $0x4000, s12;
	s7 =	sadd.s32 $0xFFFFF000, s6;
	s6 =	sadd.s32 $0x2DC780, s31  }
0x1d5: {  	[tilespmem:s11], [sflag:$0x1] =	stream.linear.gather [hbm4b:s19+s8], $0x400, $0x38;
	[tilespmem:$0x19980] =	vst v63  }
0x1d6: {  	s15 =	sadd.s32 $0x6000, s12;
	s12 =	sadd.s32 $0x400, s12;
	s11 =	sadd.s32 $0x80, s31  }
0x1d7: {  	[tilespmem:s22], [sflag:$0x1] =	stream.linear.gather [hbm4b:s20+s8], $0x400, $0x38;
	[tilespmem:$0x19980] =	vst v63  }
.LBB2_31:
0x1d8: {  	[tilespmem:s15], [sflag:$0x1] =	stream.linear.gather [hbm4b:s6+s8], $0x400, $0x38;
	[tilespmem:$0x19980] =	vst v63  }
0x1d9: {  	p4 =	sne.s32 s7, $0x1000;
	s7 =	sadd.s32 $0xFFFFF000, s7;
	s6 =	smov.u32 s11  }
0x1da: {  	[tilespmem:s12], [sflag:$0x1] =	stream.linear.gather [hbm4b:s11+s8], $0x400, $0x38;
	[tilespmem:$0x19980] =	vst v63  }
.Ltmp24:
0x1db: {  	s15 =	sadd.s32 $0xF4280, s11;
	s19 =	sadd.s32 $0x2000, s12;
	(pc) =	sbr.rel @p4 .LBB2_31-.Ltmp24, $4  }
0x1dc: {  	[tilespmem:s19], [sflag:$0x1] =	stream.linear.gather [hbm4b:s15+s8], $0x400, $0x38;
	[tilespmem:$0x19980] =	vst v63  }
0x1dd: {  	s11 =	sadd.s32 $0x80, s11;
	s15 =	sadd.s32 $0x1E8500, s6;
	s19 =	sadd.s32 $0x4000, s12  }
0x1de: {  	[tilespmem:s19], [sflag:$0x1] =	stream.linear.gather [hbm4b:s15+s8], $0x400, $0x38;
	[tilespmem:$0x19980] =	vst v63  }
0x1df: {  	s6 =	sadd.s32 $0x2DC780, s6;
	s15 =	sadd.s32 $0x6000, s12;
	s12 =	sadd.s32 $0x400, s12  }
.Ltmp25:
0x1e0: {  	_ = 	snop;
	(pc) =	sbr.rel .LBB2_32-.Ltmp25, $1  }
0x1e1: {  	_ =	sdelay $0x3  }
.LBB2_28:
.Ltmp26:
0x1e2: {  	(pc) =	sbr.rel .LBB2_34-.Ltmp26, $4  }
0x1e3: {  	s5 =	sshll.u32 s5, $0x7  }
0x1e4: {  	s6 =	sshll.u32 s24, $0xF;
	s7 =	rddreg [dreg:$0x2];
	s5 =	sand.u32 $0x1FFFFF80, s5  }
0x1e5: {  	s6 =	sor.u32 $0x1980, s6;
	s5 =	sadd.s32 s7, s5  }
0x1e6: {  	[tilespmem:s6], [sflag:$0x1] =	stream.strided.gather [hbm4b:s5+s28], $0x8000, s16, s28, $0x38;
	[tilespmem:$0x19980] =	vst v63  }
.LBB2_18:
.Ltmp27:
0x1e7: {  	(pc) =	sbr.rel .LBB2_22-.Ltmp27, $2  }
0x1e8: {  	_ =	sdelay $0x2  }
0x1e9: {  	s7 =	simm.s32 $0x0  }
.LBB2_20:
.Ltmp28:
0x1ea: {  	(pc) =	sbr.rel .LBB2_22-.Ltmp28, $2  }
0x1eb: {  	_ =	sdelay $0x2  }
0x1ec: {  	s7 =	simm.s32 $0x0  }
.LBB2_35:
0x1ed: {  	p2 =	slt.s32 s29, $0x1  }
.Ltmp29:
0x1ee: {  	_ = 	snop;
	(pc) =	sbr.rel @p2 .LBB2_39-.Ltmp29, $2  }
0x1ef: {  	_ =	sdelay $0x2  }
0x1f0: {  	s5 =	rddreg [dreg:$0xc]  }
0x1f1: {  	p2 =	slt.s32 s29, $0x100  }
0x1f2: {  	s29 =	simm.s32 @!p2 $0x100  }
0x1f3: {  	p2 =	sne.s32 s29, $0x1  }
.Ltmp30:
0x1f4: {  	_ = 	snop;
	(pc) =	sbr.rel @!p2 .LBB2_38-.Ltmp30, $3  }
0x1f5: {  	_ =	sdelay $0x1  }
0x1f6: {  	_ =	swait.ge [sflag:s26], $0x20  }
0x1f7: {  	[sflag:s26] =	ssyncset.done $0x0;
	s0 =	sadd.s32 $0xFFFFFFFF, s29  }
.LBB2_37:
0x1f8: {  	p2 =	sne.s32 s0, $0x1;
	s0 =	sadd.s32 $0xFFFFFFFF, s0;
	[sflag:s26] =	ssyncadd.s32 $0xFFFFFFE0  }
.Ltmp31:
0x1f9: {  	(pc) =	sbr.rel @p2 .LBB2_37-.Ltmp31, $3  }
0x1fa: {  	_ =	sdelay $0x1  }
0x1fb: {  	_ =	swait.ge [sflag:s26], $0x20  }
0x1fc: {  	[sflag:s26] =	ssyncset.done $0x0  }
.Ltmp32:
0x1fd: {  	_ = 	snop;
	(pc) =	sbr.rel .LBB2_38-.Ltmp32, $1  }
0x1fe: {  	_ =	sdelay $0x3  }
.LBB2_40:
0x1ff: {  	_ =	sfence.sel $0x180000  }
0x200: {  	[bflag:$0x0] =	sbarrier.arrive $0xFFFF  }
0x201: {  	_ =	strace $0x90000047  }
0x202: {  	s0 =	stileid.u32;
	[bflag:$0x2] =	sbarrier.arrive $0xFFFF  }
0x203: {  	p0 =	sne.s32 s0, $0x0;
	s0 =	rddreg [dreg:$0x5]  }
0x204: {  	s0 =	sadd.s32 @!p0 $0x100000, s0  }
0x205: {  	[sflag:s0] =	ssyncadd.tile.s32 @!p0 $0x1;
	_ =	shalt  }
.Lfunc_end2:
_tile_overlayer_lowered:
.L_overlay_start_2:
0x206: {  	(tag) =	ssettag $0x2  }
0x207: {  	s0 =	rddreg [dreg:$0x0];
	s2 =	stileid.u32  }
0x208: {  	s1 =	rddreg [dreg:$0x1];
	p0 =	sne.s32 s2, $0x0  }
0x209: {  	s3 =	rddreg [dreg:$0x2];
	[bflag:$0x3] =	sbarrier.arrive $0xFFFF;
	s2 =	simm.s32 @!p0 $0x1C03  }
0x20a: {  	[timem:s3], [sflag:s2] =	dma.local @!p0 [hbm:s0], s1  }
0x20b: {  	s0 =	simm.s32 @!p0 $0x3  }
0x20c: {  	_ =	swait.ge @!p0 [sflag:s0], s1  }
0x20d: {  	s1 =	ssub.s32 @!p0 $0x0, s1;
	[sflag:s0] =	ssyncset.done @!p0 $0x0  }
0x20e: {  	[sflag:s0] =	ssyncadd.s32 @!p0 s1  }
0x20f: {  	[bflag:$0x3] =	sbarrier.arrive $0xFFFF  }
0x210: {  	_ =	shalt  }

</sc_bundles>
